<compile_context>
chip_gen: v7x
topology: tpu7x:2x2x1
jax: 0.10.2.dev20260603
libtpu: 0.0.44.dev20260713+nightly
codegen_flags: <defaults>
</compile_context>

<pallas_src>
import functools

import jax
import jax.numpy as jnp
from jax import lax
from jax.experimental import pallas as pl
from jax.experimental.pallas import tpu as pltpu
from jax.experimental.pallas import tpu_sc as plsc

IMAGE_SIZE = 48
KERNEL_SIZE = 3
K = 256
OUT_DIM = IMAGE_SIZE - KERNEL_SIZE + 1
BATCH = 16
NPIX = IMAGE_SIZE * IMAGE_SIZE
NV = NPIX // 16


def _round_bf16(v):
    b = jax.lax.bitcast_convert_type(v, jnp.int32)
    lsb = jax.lax.shift_right_logical(b, 16) & 1
    b2 = (b + 0x7FFF + lsb) & ~0xFFFF
    return jax.lax.bitcast_convert_type(b2, jnp.float32)


def _conv_cols(wr):
    L, OD, KS = IMAGE_SIZE, OUT_DIM, KERNEL_SIZE
    cc = jax.lax.broadcasted_iota(jnp.int32, (L, OD), 0)
    jj = jax.lax.broadcasted_iota(jnp.int32, (L, OD), 1)
    band = cc - jj
    cols = []
    for ki in range(KS):
        a = jnp.where(band == 0, wr[ki][0], 0.0)
        a = jnp.where(band == 1, wr[ki][1], a)
        a = jnp.where(band == 2, wr[ki][2], a)
        cols.append(a)
    return cols


def _conv3x3(m2, cols):
    L, OD, KS, B = IMAGE_SIZE, OUT_DIM, KERNEL_SIZE, BATCH
    ps = [jax.lax.dot_general(m2, cols[ki], (((1,), (0,)), ((), ())),
                              preferred_element_type=jnp.float32)
          .reshape(B, L, OD) for ki in range(KS)]
    acc = ps[0][:, 0:OD, :]
    for ki in range(1, KS):
        acc = acc + ps[ki][:, ki:ki + OD, :]
    return acc


def _residual_kernel(w_ref, x_ref, abits_ref):
    L, OD, KS, B = IMAGE_SIZE, OUT_DIM, KERNEL_SIZE, BATCH
    HI = jax.lax.Precision.HIGHEST
    x = x_ref[...]

    w = [[w_ref[ki * KS + kj] for kj in range(KS)] for ki in range(KS)]
    wr = [[_round_bf16(w_ref[ki * KS + kj]) for kj in range(KS)]
          for ki in range(KS)]
    xr = _round_bf16(x)
    cols = _conv_cols(wr)

    ka = _conv3x3(xr.reshape(B * L, L), cols) * (1.0 / 9.0)

    cc2 = jax.lax.broadcasted_iota(jnp.int32, (OD, L), 0)
    tt2 = jax.lax.broadcasted_iota(jnp.int32, (OD, L), 1)
    bnd = tt2 - cc2
    bmat = jnp.where((bnd >= 0) & (bnd <= 2), 1.0, 0.0)
    bsj = jax.lax.dot_general(ka.reshape(B * OD, OD), bmat,
                              (((1,), (0,)), ((), ())), precision=HI,
                              preferred_element_type=jnp.float32)
    bsj = bsj.reshape(B, OD, L)
    z2 = jnp.zeros((B, 2, L), jnp.float32)
    p50 = jnp.concatenate([z2, bsj, z2], axis=1)
    bs = p50[:, 0:L, :] + p50[:, 1:1 + L, :] + p50[:, 2:2 + L, :]

    ii = jax.lax.broadcasted_iota(jnp.int32, (L, L), 0)
    jj2 = jax.lax.broadcasted_iota(jnp.int32, (L, L), 1)
    ws = jnp.zeros((L, L), jnp.float32)
    for ki in range(KS):
        rmask = (ii >= ki) & (ii <= OD - 1 + ki)
        for kj in range(KS):
            cmask = (jj2 >= kj) & (jj2 <= OD - 1 + kj)
            ws = ws + jnp.where(rmask & cmask, w[ki][kj], 0.0)
    nrow = jnp.minimum(ii, 2) - jnp.maximum(ii - (OD - 1), 0) + 1
    ncol = jnp.minimum(jj2, 2) - jnp.maximum(jj2 - (OD - 1), 0) + 1
    cnt = (nrow * ncol).astype(jnp.float32)

    r = cnt[None] * (x * ws[None] - bs)
    abits_ref[...] = jax.lax.bitcast_convert_type(jnp.abs(r), jnp.int32)


def _mask_conv_kernel(w_ref, b_ref, x_ref, abits_ref, thr_ref, o_ref):
    L, OD, KS, B = IMAGE_SIZE, OUT_DIM, KERNEL_SIZE, BATCH
    x = x_ref[...]
    abits = abits_ref[...]
    thr = thr_ref[...][:, 0:1].reshape(B, 1, 1)

    wr = [[_round_bf16(w_ref[ki * KS + kj]) for kj in range(KS)]
          for ki in range(KS)]
    xr = _round_bf16(x)
    cols = _conv_cols(wr)

    xm = jnp.where(abits >= thr, 0.0, xr)
    out = _conv3x3(xm.reshape(B * L, L), cols) + b_ref[0]
    o_ref[...] = out


def _sc_radix_pass(vals_v, hist_v, pref, k_rem, shift, width):
    sh_hi = shift + width
    for i in range(16):
        hist_v[pl.ds(i * 16, 16)] = jnp.zeros((16,), jnp.int32)

    def scatter_body(j, carry):
        base = j * 64
        for u in range(4):
            v = vals_v[pl.ds(base + u * 16, 16)]
            act = lax.shift_right_logical(v, sh_hi) == pref
            bucket = lax.shift_right_logical(v, shift) & 255
            plsc.addupdate_scatter(hist_v, [bucket],
                                   jnp.ones((16,), jnp.int32), mask=act)
        return carry

    lax.fori_loop(0, NV // 4, scatter_body, 0)

    def scan_body(cc, carry):
        run, nsat = carry
        c = 15 - cc
        h = hist_v[pl.ds(c * 16, 16)]
        cs = jnp.cumsum(jnp.flip(h, 0))
        nsat = nsat + jnp.sum(((run + cs) >= k_rem).astype(jnp.int32))
        run = run + jnp.sum(h)
        return run, nsat

    _, nsat = lax.fori_loop(0, 16, scan_body, (jnp.int32(0), jnp.int32(0)))
    d = nsat - 1

    def above_body(c, acc):
        h = hist_v[pl.ds(c * 16, 16)]
        tglob = c * 16 + lax.iota(jnp.int32, 16)
        return acc + jnp.sum(jnp.where(tglob > d, h, 0))

    above = lax.fori_loop(0, 16, above_body, jnp.int32(0))
    return (pref << width) | d, k_rem - above


_sc_mesh = plsc.VectorSubcoreMesh(core_axis_name="c", subcore_axis_name="s")


@functools.partial(
    pl.kernel, mesh=_sc_mesh,
    compiler_params=pltpu.CompilerParams(needs_layout_passes=False),
    out_type=jax.ShapeDtypeStruct((BATCH, 16), jnp.int32),
    scratch_types=[pltpu.VMEM((NPIX,), jnp.int32),
                   pltpu.VMEM((256,), jnp.int32),
                   pltpu.VMEM((16,), jnp.int32)],
)
def _sc_kth_largest(abits_hbm, out_hbm, vals_v, hist_v, out_v):
    wid = lax.axis_index("c") * 16 + lax.axis_index("s")

    @pl.when(wid < BATCH)
    def _():
        pltpu.sync_copy(abits_hbm.at[wid], vals_v)
        pref = jnp.int32(0)
        k_rem = jnp.int32(K)
        pref, k_rem = _sc_radix_pass(vals_v, hist_v, pref, k_rem, 23, 8)
        pref, k_rem = _sc_radix_pass(vals_v, hist_v, pref, k_rem, 15, 8)
        pref, k_rem = _sc_radix_pass(vals_v, hist_v, pref, k_rem, 7, 8)
        pref, k_rem = _sc_radix_pass(vals_v, hist_v, pref, k_rem, 0, 7)
        out_v[...] = jnp.full((16,), pref, jnp.int32)
        pltpu.sync_copy(out_v, out_hbm.at[wid])


@jax.jit
def kernel(x, weight, bias):
    wflat = weight.reshape(-1)
    x3 = x.reshape(BATCH, IMAGE_SIZE, IMAGE_SIZE)
    abits = pl.pallas_call(
        _residual_kernel,
        out_shape=jax.ShapeDtypeStruct((BATCH, IMAGE_SIZE, IMAGE_SIZE),
                                       jnp.int32),
        in_specs=[
            pl.BlockSpec(memory_space=pltpu.SMEM),
            pl.BlockSpec(memory_space=pltpu.VMEM),
        ],
        out_specs=pl.BlockSpec(memory_space=pltpu.VMEM),
    )(wflat, x3)
    thr = _sc_kth_largest(abits.reshape(BATCH, NPIX))
    out = pl.pallas_call(
        _mask_conv_kernel,
        out_shape=jax.ShapeDtypeStruct((BATCH, OUT_DIM, OUT_DIM), jnp.float32),
        in_specs=[
            pl.BlockSpec(memory_space=pltpu.SMEM),
            pl.BlockSpec(memory_space=pltpu.SMEM),
            pl.BlockSpec(memory_space=pltpu.VMEM),
            pl.BlockSpec(memory_space=pltpu.VMEM),
            pl.BlockSpec(memory_space=pltpu.VMEM),
        ],
        out_specs=pl.BlockSpec(memory_space=pltpu.VMEM),
    )(wflat, bias.reshape(-1), x3, abits, thr)
    return out[:, None]

# --- scband reference (transcript-rebuilt; emitter-appended) ---
"""Pipeline reference for scband-trunc-conv-abs-73985106641587 (READ-ONLY COPY).

The authoritative reference and input builder live on the scoring server;
editing this copy changes nothing except your own understanding.
"""

import jax, jax.numpy as jnp
import numpy as np

IMAGE_SIZE = 48
KERNEL_SIZE = 3
K = 256
OUT_DIM = IMAGE_SIZE - KERNEL_SIZE + 1
BATCH = 16

# Precompute toeplitz scatter indices (row = output window, col = input pixel)
_rows = []
_cols = []
for oi in range(OUT_DIM):
    for oj in range(OUT_DIM):
        for ki in range(KERNEL_SIZE):
            for kj in range(KERNEL_SIZE):
                _rows.append(oi * OUT_DIM + oj)
                _cols.append((oi + ki) * IMAGE_SIZE + (oj + kj))
ROWS = jnp.asarray(np.array(_rows, dtype=np.int32))
COLS = jnp.asarray(np.array(_cols, dtype=np.int32))


def _toeplitz(weight_2d):
    # weight_2d: [KERNEL_SIZE, KERNEL_SIZE]
    vals = jnp.tile(weight_2d.reshape(-1), OUT_DIM * OUT_DIM)
    flat = jnp.zeros((OUT_DIM * OUT_DIM, IMAGE_SIZE * IMAGE_SIZE), dtype=weight_2d.dtype)
    flat = flat.at[ROWS, COLS].set(vals)
    return flat


def _conv2d(x, w):
    return jax.lax.conv_general_dilated(
        x, w, window_strides=(1, 1), padding='VALID',
        dimension_numbers=('NCHW', 'OIHW', 'NCHW'))


def setup_inputs(seed: int = 0) -> dict:
    key = jax.random.key(seed)
    k1, k2, k3 = jax.random.split(key, 3)
    x = jax.random.normal(k1, (BATCH, 1, IMAGE_SIZE, IMAGE_SIZE), dtype=jnp.float32)
    fan_in = KERNEL_SIZE * KERNEL_SIZE
    bound = 1.0 / np.sqrt(fan_in)
    weight = jax.random.uniform(k2, (1, 1, KERNEL_SIZE, KERNEL_SIZE), dtype=jnp.float32,
                                minval=-bound, maxval=bound)
    bias = jax.random.uniform(k3, (1,), dtype=jnp.float32, minval=-bound, maxval=bound)
    return {"x": x, "weight": weight, "bias": bias}


def reference(x, weight, bias):
    B = x.shape[0]
    # mask computation uses detached x and weight (torch .detach())
    xd = jax.lax.stop_gradient(x)
    wd = jax.lax.stop_gradient(weight)
    flat_kern = _toeplitz(wd[0, 0])
    kern_mask = (flat_kern != 0).astype(x.dtype)
    counts = kern_mask.sum(axis=0)  # [l^2] number of windows covering each pixel
    r_scale = 1.0 / counts
    kern_avg = _conv2d(xd, wd).reshape(B, OUT_DIM * OUT_DIM) / (KERNEL_SIZE ** 2)
    r_vals = xd.reshape(B, 1, IMAGE_SIZE * IMAGE_SIZE) * flat_kern[None, :, :]
    r_vals = r_vals - kern_avg[:, :, None]
    r_vals = r_vals * kern_mask[None, :, :]
    r_vals = r_vals.sum(axis=1) / r_scale  # [B, l^2]
    _, idx_top = jax.lax.top_k(jnp.abs(r_vals), K)  # [B, K]
    z = jnp.ones_like(r_vals)
    z = z.at[jnp.arange(B)[:, None], idx_top].set(0.0)
    z = z.reshape(x.shape)
    out = _conv2d(x * z, weight) + bias.reshape(1, -1, 1, 1)
    return out

if __name__ == "__main__":
    import jax
    _d = setup_inputs()
    print(jax.jit(kernel)(*tuple(_d.values())))

</pallas_src>

<mosaic_0001>
#map = affine_map<(d0, d1) -> (0, 0)>
module attributes {stable_mosaic.version = 14 : i64} {
  func.func @_sc_kth_largest(%arg0: i32, %arg1: i32, %arg2: memref<16x2304xi32, #tpu.memory_space<hbm>>, %arg3: memref<16x16xi32, #tpu.memory_space<hbm>>, %arg4: memref<2304xi32, #tpu.memory_space<vmem>>, %arg5: memref<256xi32, #tpu.memory_space<vmem>>, %arg6: memref<16xi32, #tpu.memory_space<vmem>>) attributes {dimension_semantics = [#tpu.dimension_semantics<core_parallel>, #tpu.dimension_semantics<subcore_parallel>], iteration_bounds = array<i64: 2, 16>, scalar_prefetch = 0 : i64, scratch_operands = 3 : i64, tpu.core_type = #tpu.core_type<sc_vector_subcore>, window_params = [{transform_indices = #map}, {transform_indices = #map}]} {
    %mul3A = arith.constant 16 : i32
    %mul3A_0 = arith.muli %arg0, %mul3A : i32
    %add3A = arith.addi %mul3A_0, %arg1 : i32
    %lt3A = arith.constant 16 : i32
    %lt3A_1 = arith.cmpi slt, %add3A, %lt3A : i32
    %convert_element_type3A = arith.extui %lt3A_1 : i1 to i32
    %cond3A = arith.constant 0 : i32
    %cond3A_2 = arith.cmpi ne, %convert_element_type3A, %cond3A : i32
    scf.if %cond3A_2 {
      "tpu.region"() ({
        %run_scoped3A = tpu.sem_alloc : memref<!tpu.dma_semaphore, #tpu.memory_space<semaphore_mem>>
        %dma_start3A = arith.constant 0 : i32
        %dma_start3A_368 = tpu.memref_slice %arg2[%add3A, %dma_start3A] : memref<16x2304xi32, #tpu.memory_space<hbm>> -> memref<1x2304xi32, #tpu.memory_space<hbm>>
        %dma_start3A_369 = tpu.memref_squeeze %dma_start3A_368 : memref<1x2304xi32, #tpu.memory_space<hbm>> -> memref<2304xi32, #tpu.memory_space<hbm>>
        %dma_start3A_370 = arith.constant 0 : i32
        %dma_start3A_371 = tpu.memref_slice %arg2[%add3A, %dma_start3A_370] : memref<16x2304xi32, #tpu.memory_space<hbm>> -> memref<1x2304xi32, #tpu.memory_space<hbm>>
        %dma_start3A_372 = tpu.memref_squeeze %dma_start3A_371 : memref<1x2304xi32, #tpu.memory_space<hbm>> -> memref<2304xi32, #tpu.memory_space<hbm>>
        tpu.enqueue_dma source(%dma_start3A_372 : memref<2304xi32, #tpu.memory_space<hbm>>) target(%arg4 : memref<2304xi32, #tpu.memory_space<vmem>>) target_semaphore(%run_scoped3A : memref<!tpu.dma_semaphore, #tpu.memory_space<semaphore_mem>>)
        %dma_wait3A = arith.constant 0 : i32
        %dma_wait3A_373 = tpu.memref_slice %arg2[%add3A, %dma_wait3A] : memref<16x2304xi32, #tpu.memory_space<hbm>> -> memref<1x2304xi32, #tpu.memory_space<hbm>>
        %dma_wait3A_374 = tpu.memref_squeeze %dma_wait3A_373 : memref<1x2304xi32, #tpu.memory_space<hbm>> -> memref<2304xi32, #tpu.memory_space<hbm>>
        %dma_wait3A_375 = arith.constant 0 : i32
        %dma_wait3A_376 = tpu.memref_slice %arg2[%add3A, %dma_wait3A_375] : memref<16x2304xi32, #tpu.memory_space<hbm>> -> memref<1x2304xi32, #tpu.memory_space<hbm>>
        %dma_wait3A_377 = tpu.memref_squeeze %dma_wait3A_376 : memref<1x2304xi32, #tpu.memory_space<hbm>> -> memref<2304xi32, #tpu.memory_space<hbm>>
        tpu.wait_dma2 semaphore(%run_scoped3A : memref<!tpu.dma_semaphore, #tpu.memory_space<semaphore_mem>>) src(%dma_wait3A_377 : memref<2304xi32, #tpu.memory_space<hbm>>) dst(%arg4 : memref<2304xi32, #tpu.memory_space<vmem>>)
        tpu.yield
      }) : () -> ()
      %broadcast_in_dim3A = arith.constant 0 : i32
      %broadcast_in_dim3A_3 = vector.broadcast %broadcast_in_dim3A : i32 to vector<16xi32>
      %swap3A = arith.constant 0 : index
      %swap3A_4 = tpu.vector_load %arg5[%swap3A] {strides = array<i32>} : memref<256xi32, #tpu.memory_space<vmem>>, vector<16xi32>,
      tpu.vector_store %arg5[%swap3A], %broadcast_in_dim3A_3 {strides = array<i32>} : memref<256xi32, #tpu.memory_space<vmem>>, vector<16xi32>,
      %broadcast_in_dim3A_5 = arith.constant 0 : i32
      %broadcast_in_dim3A_6 = vector.broadcast %broadcast_in_dim3A_5 : i32 to vector<16xi32>
      %swap3A_7 = arith.constant 16 : index
      %swap3A_8 = tpu.vector_load %arg5[%swap3A_7] {strides = array<i32>} : memref<256xi32, #tpu.memory_space<vmem>>, vector<16xi32>,
      tpu.vector_store %arg5[%swap3A_7], %broadcast_in_dim3A_6 {strides = array<i32>} : memref<256xi32, #tpu.memory_space<vmem>>, vector<16xi32>,
      %broadcast_in_dim3A_9 = arith.constant 0 : i32
      %broadcast_in_dim3A_10 = vector.broadcast %broadcast_in_dim3A_9 : i32 to vector<16xi32>
      %swap3A_11 = arith.constant 32 : index
      %swap3A_12 = tpu.vector_load %arg5[%swap3A_11] {strides = array<i32>} : memref<256xi32, #tpu.memory_space<vmem>>, vector<16xi32>,
      tpu.vector_store %arg5[%swap3A_11], %broadcast_in_dim3A_10 {strides = array<i32>} : memref<256xi32, #tpu.memory_space<vmem>>, vector<16xi32>,
      %broadcast_in_dim3A_13 = arith.constant 0 : i32
      %broadcast_in_dim3A_14 = vector.broadcast %broadcast_in_dim3A_13 : i32 to vector<16xi32>
      %swap3A_15 = arith.constant 48 : index
      %swap3A_16 = tpu.vector_load %arg5[%swap3A_15] {strides = array<i32>} : memref<256xi32, #tpu.memory_space<vmem>>, vector<16xi32>,
      tpu.vector_store %arg5[%swap3A_15], %broadcast_in_dim3A_14 {strides = array<i32>} : memref<256xi32, #tpu.memory_space<vmem>>, vector<16xi32>,
      %broadcast_in_dim3A_17 = arith.constant 0 : i32
      %broadcast_in_dim3A_18 = vector.broadcast %broadcast_in_dim3A_17 : i32 to vector<16xi32>
      %swap3A_19 = arith.constant 64 : index
      %swap3A_20 = tpu.vector_load %arg5[%swap3A_19] {strides = array<i32>} : memref<256xi32, #tpu.memory_space<vmem>>, vector<16xi32>,
      tpu.vector_store %arg5[%swap3A_19], %broadcast_in_dim3A_18 {strides = array<i32>} : memref<256xi32, #tpu.memory_space<vmem>>, vector<16xi32>,
      %broadcast_in_dim3A_21 = arith.constant 0 : i32
      %broadcast_in_dim3A_22 = vector.broadcast %broadcast_in_dim3A_21 : i32 to vector<16xi32>
      %swap3A_23 = arith.constant 80 : index
      %swap3A_24 = tpu.vector_load %arg5[%swap3A_23] {strides = array<i32>} : memref<256xi32, #tpu.memory_space<vmem>>, vector<16xi32>,
      tpu.vector_store %arg5[%swap3A_23], %broadcast_in_dim3A_22 {strides = array<i32>} : memref<256xi32, #tpu.memory_space<vmem>>, vector<16xi32>,
      %broadcast_in_dim3A_25 = arith.constant 0 : i32
      %broadcast_in_dim3A_26 = vector.broadcast %broadcast_in_dim3A_25 : i32 to vector<16xi32>
      %swap3A_27 = arith.constant 96 : index
      %swap3A_28 = tpu.vector_load %arg5[%swap3A_27] {strides = array<i32>} : memref<256xi32, #tpu.memory_space<vmem>>, vector<16xi32>,
      tpu.vector_store %arg5[%swap3A_27], %broadcast_in_dim3A_26 {strides = array<i32>} : memref<256xi32, #tpu.memory_space<vmem>>, vector<16xi32>,
      %broadcast_in_dim3A_29 = arith.constant 0 : i32
      %broadcast_in_dim3A_30 = vector.broadcast %broadcast_in_dim3A_29 : i32 to vector<16xi32>
      %swap3A_31 = arith.constant 112 : index
      %swap3A_32 = tpu.vector_load %arg5[%swap3A_31] {strides = array<i32>} : memref<256xi32, #tpu.memory_space<vmem>>, vector<16xi32>,
      tpu.vector_store %arg5[%swap3A_31], %broadcast_in_dim3A_30 {strides = array<i32>} : memref<256xi32, #tpu.memory_space<vmem>>, vector<16xi32>,
      %broadcast_in_dim3A_33 = arith.constant 0 : i32
      %broadcast_in_dim3A_34 = vector.broadcast %broadcast_in_dim3A_33 : i32 to vector<16xi32>
      %swap3A_35 = arith.constant 128 : index
      %swap3A_36 = tpu.vector_load %arg5[%swap3A_35] {strides = array<i32>} : memref<256xi32, #tpu.memory_space<vmem>>, vector<16xi32>,
      tpu.vector_store %arg5[%swap3A_35], %broadcast_in_dim3A_34 {strides = array<i32>} : memref<256xi32, #tpu.memory_space<vmem>>, vector<16xi32>,
      %broadcast_in_dim3A_37 = arith.constant 0 : i32
      %broadcast_in_dim3A_38 = vector.broadcast %broadcast_in_dim3A_37 : i32 to vector<16xi32>
      %swap3A_39 = arith.constant 144 : index
      %swap3A_40 = tpu.vector_load %arg5[%swap3A_39] {strides = array<i32>} : memref<256xi32, #tpu.memory_space<vmem>>, vector<16xi32>,
      tpu.vector_store %arg5[%swap3A_39], %broadcast_in_dim3A_38 {strides = array<i32>} : memref<256xi32, #tpu.memory_space<vmem>>, vector<16xi32>,
      %broadcast_in_dim3A_41 = arith.constant 0 : i32
      %broadcast_in_dim3A_42 = vector.broadcast %broadcast_in_dim3A_41 : i32 to vector<16xi32>
      %swap3A_43 = arith.constant 160 : index
      %swap3A_44 = tpu.vector_load %arg5[%swap3A_43] {strides = array<i32>} : memref<256xi32, #tpu.memory_space<vmem>>, vector<16xi32>,
      tpu.vector_store %arg5[%swap3A_43], %broadcast_in_dim3A_42 {strides = array<i32>} : memref<256xi32, #tpu.memory_space<vmem>>, vector<16xi32>,
      %broadcast_in_dim3A_45 = arith.constant 0 : i32
      %broadcast_in_dim3A_46 = vector.broadcast %broadcast_in_dim3A_45 : i32 to vector<16xi32>
      %swap3A_47 = arith.constant 176 : index
      %swap3A_48 = tpu.vector_load %arg5[%swap3A_47] {strides = array<i32>} : memref<256xi32, #tpu.memory_space<vmem>>, vector<16xi32>,
      tpu.vector_store %arg5[%swap3A_47], %broadcast_in_dim3A_46 {strides = array<i32>} : memref<256xi32, #tpu.memory_space<vmem>>, vector<16xi32>,
      %broadcast_in_dim3A_49 = arith.constant 0 : i32
      %broadcast_in_dim3A_50 = vector.broadcast %broadcast_in_dim3A_49 : i32 to vector<16xi32>
      %swap3A_51 = arith.constant 192 : index
      %swap3A_52 = tpu.vector_load %arg5[%swap3A_51] {strides = array<i32>} : memref<256xi32, #tpu.memory_space<vmem>>, vector<16xi32>,
      tpu.vector_store %arg5[%swap3A_51], %broadcast_in_dim3A_50 {strides = array<i32>} : memref<256xi32, #tpu.memory_space<vmem>>, vector<16xi32>,
      %broadcast_in_dim3A_53 = arith.constant 0 : i32
      %broadcast_in_dim3A_54 = vector.broadcast %broadcast_in_dim3A_53 : i32 to vector<16xi32>
      %swap3A_55 = arith.constant 208 : index
      %swap3A_56 = tpu.vector_load %arg5[%swap3A_55] {strides = array<i32>} : memref<256xi32, #tpu.memory_space<vmem>>, vector<16xi32>,
      tpu.vector_store %arg5[%swap3A_55], %broadcast_in_dim3A_54 {strides = array<i32>} : memref<256xi32, #tpu.memory_space<vmem>>, vector<16xi32>,
      %broadcast_in_dim3A_57 = arith.constant 0 : i32
      %broadcast_in_dim3A_58 = vector.broadcast %broadcast_in_dim3A_57 : i32 to vector<16xi32>
      %swap3A_59 = arith.constant 224 : index
      %swap3A_60 = tpu.vector_load %arg5[%swap3A_59] {strides = array<i32>} : memref<256xi32, #tpu.memory_space<vmem>>, vector<16xi32>,
      tpu.vector_store %arg5[%swap3A_59], %broadcast_in_dim3A_58 {strides = array<i32>} : memref<256xi32, #tpu.memory_space<vmem>>, vector<16xi32>,
      %broadcast_in_dim3A_61 = arith.constant 0 : i32
      %broadcast_in_dim3A_62 = vector.broadcast %broadcast_in_dim3A_61 : i32 to vector<16xi32>
      %swap3A_63 = arith.constant 240 : index
      %swap3A_64 = tpu.vector_load %arg5[%swap3A_63] {strides = array<i32>} : memref<256xi32, #tpu.memory_space<vmem>>, vector<16xi32>,
      tpu.vector_store %arg5[%swap3A_63], %broadcast_in_dim3A_62 {strides = array<i32>} : memref<256xi32, #tpu.memory_space<vmem>>, vector<16xi32>,
      %scan3A = arith.constant 0 : i32
      %scan3A_65 = arith.constant 0 : i32
      %scan3A_66 = arith.constant 0 : i32
      %scan3A_67 = arith.constant 36 : i32
      %scan3A_68 = arith.addi %scan3A_66, %scan3A_67 : i32
      %scan3A_69 = arith.constant 1 : i32
      scf.for %scan3A_368 = %scan3A_66 to %scan3A_68 step %scan3A_69  : i32 {
        %mul3A_369 = arith.constant 64 : i32
        %mul3A_370 = arith.muli %scan3A_368, %mul3A_369 : i32
        %add3A_371 = arith.constant 0 : i32
        %add3A_372 = arith.addi %mul3A_370, %add3A_371 : i32
        %get3A = arith.index_cast %add3A_372 : i32 to index
        %get3A_373 = tpu.vector_load %arg4[%get3A] {strides = array<i32>} : memref<2304xi32, #tpu.memory_space<vmem>>, vector<16xi32>,
        %shift_right_logical3A = arith.constant 31 : i32
        %shift_right_logical3A_374 = vector.broadcast %shift_right_logical3A : i32 to vector<16xi32>
        %shift_right_logical3A_375 = arith.shrui %get3A_373, %shift_right_logical3A_374 : vector<16xi32>
        %eq3A = vector.broadcast %scan3A_65 : i32 to vector<16xi32>
        %eq3A_376 = arith.cmpi eq, %shift_right_logical3A_375, %eq3A : vector<16xi32>
        %shift_right_logical3A_377 = arith.constant 23 : i32
        %shift_right_logical3A_378 = vector.broadcast %shift_right_logical3A_377 : i32 to vector<16xi32>
        %shift_right_logical3A_379 = arith.shrui %get3A_373, %shift_right_logical3A_378 : vector<16xi32>
        %and3A = arith.constant 255 : i32
        %and3A_380 = vector.broadcast %and3A : i32 to vector<16xi32>
        %and3A_381 = arith.andi %shift_right_logical3A_379, %and3A_380 : vector<16xi32>
        %broadcast_in_dim3A_382 = arith.constant 1 : i32
        %broadcast_in_dim3A_383 = vector.broadcast %broadcast_in_dim3A_382 : i32 to vector<16xi32>
        tpu.vector_store_idx %arg5[%and3A_381], %broadcast_in_dim3A_383 masked %eq3A_376 {add = true} : memref<256xi32, #tpu.memory_space<vmem>>[vector<16xi32>], vector<16xi32>, vector<16xi1>
        %add3A_384 = arith.constant 16 : i32
        %add3A_385 = arith.addi %mul3A_370, %add3A_384 : i32
        %get3A_386 = arith.index_cast %add3A_385 : i32 to index
        %get3A_387 = tpu.vector_load %arg4[%get3A_386] {strides = array<i32>} : memref<2304xi32, #tpu.memory_space<vmem>>, vector<16xi32>,
        %shift_right_logical3A_388 = arith.constant 31 : i32
        %shift_right_logical3A_389 = vector.broadcast %shift_right_logical3A_388 : i32 to vector<16xi32>
        %shift_right_logical3A_390 = arith.shrui %get3A_387, %shift_right_logical3A_389 : vector<16xi32>
        %eq3A_391 = vector.broadcast %scan3A_65 : i32 to vector<16xi32>
        %eq3A_392 = arith.cmpi eq, %shift_right_logical3A_390, %eq3A_391 : vector<16xi32>
        %shift_right_logical3A_393 = arith.constant 23 : i32
        %shift_right_logical3A_394 = vector.broadcast %shift_right_logical3A_393 : i32 to vector<16xi32>
        %shift_right_logical3A_395 = arith.shrui %get3A_387, %shift_right_logical3A_394 : vector<16xi32>
        %and3A_396 = arith.constant 255 : i32
        %and3A_397 = vector.broadcast %and3A_396 : i32 to vector<16xi32>
        %and3A_398 = arith.andi %shift_right_logical3A_395, %and3A_397 : vector<16xi32>
        %broadcast_in_dim3A_399 = arith.constant 1 : i32
        %broadcast_in_dim3A_400 = vector.broadcast %broadcast_in_dim3A_399 : i32 to vector<16xi32>
        tpu.vector_store_idx %arg5[%and3A_398], %broadcast_in_dim3A_400 masked %eq3A_392 {add = true} : memref<256xi32, #tpu.memory_space<vmem>>[vector<16xi32>], vector<16xi32>, vector<16xi1>
        %add3A_401 = arith.constant 32 : i32
        %add3A_402 = arith.addi %mul3A_370, %add3A_401 : i32
        %get3A_403 = arith.index_cast %add3A_402 : i32 to index
        %get3A_404 = tpu.vector_load %arg4[%get3A_403] {strides = array<i32>} : memref<2304xi32, #tpu.memory_space<vmem>>, vector<16xi32>,
        %shift_right_logical3A_405 = arith.constant 31 : i32
        %shift_right_logical3A_406 = vector.broadcast %shift_right_logical3A_405 : i32 to vector<16xi32>
        %shift_right_logical3A_407 = arith.shrui %get3A_404, %shift_right_logical3A_406 : vector<16xi32>
        %eq3A_408 = vector.broadcast %scan3A_65 : i32 to vector<16xi32>
        %eq3A_409 = arith.cmpi eq, %shift_right_logical3A_407, %eq3A_408 : vector<16xi32>
        %shift_right_logical3A_410 = arith.constant 23 : i32
        %shift_right_logical3A_411 = vector.broadcast %shift_right_logical3A_410 : i32 to vector<16xi32>
        %shift_right_logical3A_412 = arith.shrui %get3A_404, %shift_right_logical3A_411 : vector<16xi32>
        %and3A_413 = arith.constant 255 : i32
        %and3A_414 = vector.broadcast %and3A_413 : i32 to vector<16xi32>
        %and3A_415 = arith.andi %shift_right_logical3A_412, %and3A_414 : vector<16xi32>
        %broadcast_in_dim3A_416 = arith.constant 1 : i32
        %broadcast_in_dim3A_417 = vector.broadcast %broadcast_in_dim3A_416 : i32 to vector<16xi32>
        tpu.vector_store_idx %arg5[%and3A_415], %broadcast_in_dim3A_417 masked %eq3A_409 {add = true} : memref<256xi32, #tpu.memory_space<vmem>>[vector<16xi32>], vector<16xi32>, vector<16xi1>
        %add3A_418 = arith.constant 48 : i32
        %add3A_419 = arith.addi %mul3A_370, %add3A_418 : i32
        %get3A_420 = arith.index_cast %add3A_419 : i32 to index
        %get3A_421 = tpu.vector_load %arg4[%get3A_420] {strides = array<i32>} : memref<2304xi32, #tpu.memory_space<vmem>>, vector<16xi32>,
        %shift_right_logical3A_422 = arith.constant 31 : i32
        %shift_right_logical3A_423 = vector.broadcast %shift_right_logical3A_422 : i32 to vector<16xi32>
        %shift_right_logical3A_424 = arith.shrui %get3A_421, %shift_right_logical3A_423 : vector<16xi32>
        %eq3A_425 = vector.broadcast %scan3A_65 : i32 to vector<16xi32>
        %eq3A_426 = arith.cmpi eq, %shift_right_logical3A_424, %eq3A_425 : vector<16xi32>
        %shift_right_logical3A_427 = arith.constant 23 : i32
        %shift_right_logical3A_428 = vector.broadcast %shift_right_logical3A_427 : i32 to vector<16xi32>
        %shift_right_logical3A_429 = arith.shrui %get3A_421, %shift_right_logical3A_428 : vector<16xi32>
        %and3A_430 = arith.constant 255 : i32
        %and3A_431 = vector.broadcast %and3A_430 : i32 to vector<16xi32>
        %and3A_432 = arith.andi %shift_right_logical3A_429, %and3A_431 : vector<16xi32>
        %broadcast_in_dim3A_433 = arith.constant 1 : i32
        %broadcast_in_dim3A_434 = vector.broadcast %broadcast_in_dim3A_433 : i32 to vector<16xi32>
        tpu.vector_store_idx %arg5[%and3A_432], %broadcast_in_dim3A_434 masked %eq3A_426 {add = true} : memref<256xi32, #tpu.memory_space<vmem>>[vector<16xi32>], vector<16xi32>, vector<16xi1>
      }
      %scan3A_70 = arith.constant 36 : i32
      %scan3A_71 = arith.constant 256 : i32
      %scan3A_72 = arith.constant 0 : i32
      %scan3A_73 = arith.constant 0 : i32
      %scan3A_74 = arith.constant 0 : i32
      %scan3A_75 = arith.constant 16 : i32
      %scan3A_76 = arith.addi %scan3A_74, %scan3A_75 : i32
      %scan3A_77 = arith.constant 1 : i32
      %scan3A_78:2 = scf.for %scan3A_368 = %scan3A_74 to %scan3A_76 step %scan3A_77 iter_args(%scan3A_369 = %scan3A_72, %scan3A_370 = %scan3A_73) -> (i32, i32)  : i32 {
        %sub3A_371 = arith.constant 15 : i32
        %sub3A_372 = arith.subi %sub3A_371, %scan3A_368 : i32
        %mul3A_373 = arith.constant 16 : i32
        %mul3A_374 = arith.muli %sub3A_372, %mul3A_373 : i32
        %get3A = arith.index_cast %mul3A_374 : i32 to index
        %get3A_375 = tpu.vector_load %arg5[%get3A] {strides = array<i32>} : memref<256xi32, #tpu.memory_space<vmem>>, vector<16xi32>,
        %rev3A = arith.constant 15 : i32
        %rev3A_376 = vector.broadcast %rev3A : i32 to vector<16xi32>
        %rev3A_377 = tpu.iota {dimensions = array<i32: 0>} : vector<16xi32>
        %rev3A_378 = arith.subi %rev3A_376, %rev3A_377 : vector<16xi32>
        %rev3A_379 = tpu.dynamic_gather %get3A_375[%rev3A_378] in [0] : vector<16xi32>, vector<16xi32> -> vector<16xi32>
        %cumsum3A = arith.constant true
        %cumsum3A_380 = vector.broadcast %cumsum3A : i1 to vector<16xi1>
        %cumsum3A_381 = tpu.scan <sum>, %rev3A_379 masked %cumsum3A_380 : vector<16xi32>, vector<16xi1> -> vector<16xi32>
        %add3A_382 = vector.broadcast %scan3A_369 : i32 to vector<16xi32>
        %add3A_383 = arith.addi %add3A_382, %cumsum3A_381 : vector<16xi32>
        %ge3A = vector.broadcast %scan3A_71 : i32 to vector<16xi32>
        %ge3A_384 = arith.cmpi sge, %add3A_383, %ge3A : vector<16xi32>
        %convert_element_type3A_385 = arith.extui %ge3A_384 : vector<16xi1> to vector<16xi32>
        %reduce_sum3A = arith.constant true
        %reduce_sum3A_386 = vector.broadcast %reduce_sum3A : i1 to vector<16xi1>
        %reduce_sum3A_387 = tpu.scan <sum>, %convert_element_type3A_385 masked %reduce_sum3A_386 : vector<16xi32>, vector<16xi1> -> vector<16xi32>
        %reduce_sum3A_388 = vector.extract %reduce_sum3A_387[15] : i32 from vector<16xi32>
        %add3A_389 = arith.addi %scan3A_370, %reduce_sum3A_388 : i32
        %reduce_sum3A_390 = arith.constant true
        %reduce_sum3A_391 = vector.broadcast %reduce_sum3A_390 : i1 to vector<16xi1>
        %reduce_sum3A_392 = tpu.scan <sum>, %get3A_375 masked %reduce_sum3A_391 : vector<16xi32>, vector<16xi1> -> vector<16xi32>
        %reduce_sum3A_393 = vector.extract %reduce_sum3A_392[15] : i32 from vector<16xi32>
        %add3A_394 = arith.addi %scan3A_369, %reduce_sum3A_393 : i32
        scf.yield %add3A_394, %add3A_389 : i32, i32
      }
      %scan3A_79 = arith.constant 16 : i32
      %sub3A = arith.constant 1 : i32
      %sub3A_80 = arith.subi %scan3A_78#1, %sub3A : i32
      %scan3A_81 = arith.constant 0 : i32
      %scan3A_82 = arith.constant 0 : i32
      %scan3A_83 = arith.constant 16 : i32
      %scan3A_84 = arith.addi %scan3A_82, %scan3A_83 : i32
      %scan3A_85 = arith.constant 1 : i32
      %scan3A_86 = scf.for %scan3A_368 = %scan3A_82 to %scan3A_84 step %scan3A_85 iter_args(%scan3A_369 = %scan3A_81) -> (i32)  : i32 {
        %mul3A_370 = arith.constant 16 : i32
        %mul3A_371 = arith.muli %scan3A_368, %mul3A_370 : i32
        %get3A = arith.index_cast %mul3A_371 : i32 to index
        %get3A_372 = tpu.vector_load %arg5[%get3A] {strides = array<i32>} : memref<256xi32, #tpu.memory_space<vmem>>, vector<16xi32>,
        %mul3A_373 = arith.constant 16 : i32
        %mul3A_374 = arith.muli %scan3A_368, %mul3A_373 : i32
        %iota3A = tpu.iota {dimensions = array<i32: 0>} : vector<16xi32>
        %add3A_375 = vector.broadcast %mul3A_374 : i32 to vector<16xi32>
        %add3A_376 = arith.addi %add3A_375, %iota3A : vector<16xi32>
        %gt3A = vector.broadcast %sub3A_80 : i32 to vector<16xi32>
        %gt3A_377 = arith.cmpi sgt, %add3A_376, %gt3A : vector<16xi32>
        %jit3A = arith.constant 0 : i32
        %broadcast_in_dim3A_378 = vector.broadcast %jit3A : i32 to vector<16xi32>
        %select_n3A = arith.select %gt3A_377, %get3A_372, %broadcast_in_dim3A_378 : vector<16xi1>, vector<16xi32>
        %reduce_sum3A = arith.constant true
        %reduce_sum3A_379 = vector.broadcast %reduce_sum3A : i1 to vector<16xi1>
        %reduce_sum3A_380 = tpu.scan <sum>, %select_n3A masked %reduce_sum3A_379 : vector<16xi32>, vector<16xi1> -> vector<16xi32>
        %reduce_sum3A_381 = vector.extract %reduce_sum3A_380[15] : i32 from vector<16xi32>
        %add3A_382 = arith.addi %scan3A_369, %reduce_sum3A_381 : i32
        scf.yield %add3A_382 : i32
      }
      %scan3A_87 = arith.constant 16 : i32
      %shift_left3A = arith.constant 0 : i32
      %shift_left3A_88 = arith.constant 8 : i32
      %shift_left3A_89 = arith.shli %shift_left3A, %shift_left3A_88 : i32
      %or3A = arith.ori %shift_left3A_89, %sub3A_80 : i32
      %sub3A_90 = arith.constant 256 : i32
      %sub3A_91 = arith.subi %sub3A_90, %scan3A_86 : i32
      %broadcast_in_dim3A_92 = arith.constant 0 : i32
      %broadcast_in_dim3A_93 = vector.broadcast %broadcast_in_dim3A_92 : i32 to vector<16xi32>
      %swap3A_94 = arith.constant 0 : index
      %swap3A_95 = tpu.vector_load %arg5[%swap3A_94] {strides = array<i32>} : memref<256xi32, #tpu.memory_space<vmem>>, vector<16xi32>,
      tpu.vector_store %arg5[%swap3A_94], %broadcast_in_dim3A_93 {strides = array<i32>} : memref<256xi32, #tpu.memory_space<vmem>>, vector<16xi32>,
      %broadcast_in_dim3A_96 = arith.constant 0 : i32
      %broadcast_in_dim3A_97 = vector.broadcast %broadcast_in_dim3A_96 : i32 to vector<16xi32>
      %swap3A_98 = arith.constant 16 : index
      %swap3A_99 = tpu.vector_load %arg5[%swap3A_98] {strides = array<i32>} : memref<256xi32, #tpu.memory_space<vmem>>, vector<16xi32>,
      tpu.vector_store %arg5[%swap3A_98], %broadcast_in_dim3A_97 {strides = array<i32>} : memref<256xi32, #tpu.memory_space<vmem>>, vector<16xi32>,
      %broadcast_in_dim3A_100 = arith.constant 0 : i32
      %broadcast_in_dim3A_101 = vector.broadcast %broadcast_in_dim3A_100 : i32 to vector<16xi32>
      %swap3A_102 = arith.constant 32 : index
      %swap3A_103 = tpu.vector_load %arg5[%swap3A_102] {strides = array<i32>} : memref<256xi32, #tpu.memory_space<vmem>>, vector<16xi32>,
      tpu.vector_store %arg5[%swap3A_102], %broadcast_in_dim3A_101 {strides = array<i32>} : memref<256xi32, #tpu.memory_space<vmem>>, vector<16xi32>,
      %broadcast_in_dim3A_104 = arith.constant 0 : i32
      %broadcast_in_dim3A_105 = vector.broadcast %broadcast_in_dim3A_104 : i32 to vector<16xi32>
      %swap3A_106 = arith.constant 48 : index
      %swap3A_107 = tpu.vector_load %arg5[%swap3A_106] {strides = array<i32>} : memref<256xi32, #tpu.memory_space<vmem>>, vector<16xi32>,
      tpu.vector_store %arg5[%swap3A_106], %broadcast_in_dim3A_105 {strides = array<i32>} : memref<256xi32, #tpu.memory_space<vmem>>, vector<16xi32>,
      %broadcast_in_dim3A_108 = arith.constant 0 : i32
      %broadcast_in_dim3A_109 = vector.broadcast %broadcast_in_dim3A_108 : i32 to vector<16xi32>
      %swap3A_110 = arith.constant 64 : index
      %swap3A_111 = tpu.vector_load %arg5[%swap3A_110] {strides = array<i32>} : memref<256xi32, #tpu.memory_space<vmem>>, vector<16xi32>,
      tpu.vector_store %arg5[%swap3A_110], %broadcast_in_dim3A_109 {strides = array<i32>} : memref<256xi32, #tpu.memory_space<vmem>>, vector<16xi32>,
      %broadcast_in_dim3A_112 = arith.constant 0 : i32
      %broadcast_in_dim3A_113 = vector.broadcast %broadcast_in_dim3A_112 : i32 to vector<16xi32>
      %swap3A_114 = arith.constant 80 : index
      %swap3A_115 = tpu.vector_load %arg5[%swap3A_114] {strides = array<i32>} : memref<256xi32, #tpu.memory_space<vmem>>, vector<16xi32>,
      tpu.vector_store %arg5[%swap3A_114], %broadcast_in_dim3A_113 {strides = array<i32>} : memref<256xi32, #tpu.memory_space<vmem>>, vector<16xi32>,
      %broadcast_in_dim3A_116 = arith.constant 0 : i32
      %broadcast_in_dim3A_117 = vector.broadcast %broadcast_in_dim3A_116 : i32 to vector<16xi32>
      %swap3A_118 = arith.constant 96 : index
      %swap3A_119 = tpu.vector_load %arg5[%swap3A_118] {strides = array<i32>} : memref<256xi32, #tpu.memory_space<vmem>>, vector<16xi32>,
      tpu.vector_store %arg5[%swap3A_118], %broadcast_in_dim3A_117 {strides = array<i32>} : memref<256xi32, #tpu.memory_space<vmem>>, vector<16xi32>,
      %broadcast_in_dim3A_120 = arith.constant 0 : i32
      %broadcast_in_dim3A_121 = vector.broadcast %broadcast_in_dim3A_120 : i32 to vector<16xi32>
      %swap3A_122 = arith.constant 112 : index
      %swap3A_123 = tpu.vector_load %arg5[%swap3A_122] {strides = array<i32>} : memref<256xi32, #tpu.memory_space<vmem>>, vector<16xi32>,
      tpu.vector_store %arg5[%swap3A_122], %broadcast_in_dim3A_121 {strides = array<i32>} : memref<256xi32, #tpu.memory_space<vmem>>, vector<16xi32>,
      %broadcast_in_dim3A_124 = arith.constant 0 : i32
      %broadcast_in_dim3A_125 = vector.broadcast %broadcast_in_dim3A_124 : i32 to vector<16xi32>
      %swap3A_126 = arith.constant 128 : index
      %swap3A_127 = tpu.vector_load %arg5[%swap3A_126] {strides = array<i32>} : memref<256xi32, #tpu.memory_space<vmem>>, vector<16xi32>,
      tpu.vector_store %arg5[%swap3A_126], %broadcast_in_dim3A_125 {strides = array<i32>} : memref<256xi32, #tpu.memory_space<vmem>>, vector<16xi32>,
      %broadcast_in_dim3A_128 = arith.constant 0 : i32
      %broadcast_in_dim3A_129 = vector.broadcast %broadcast_in_dim3A_128 : i32 to vector<16xi32>
      %swap3A_130 = arith.constant 144 : index
      %swap3A_131 = tpu.vector_load %arg5[%swap3A_130] {strides = array<i32>} : memref<256xi32, #tpu.memory_space<vmem>>, vector<16xi32>,
      tpu.vector_store %arg5[%swap3A_130], %broadcast_in_dim3A_129 {strides = array<i32>} : memref<256xi32, #tpu.memory_space<vmem>>, vector<16xi32>,
      %broadcast_in_dim3A_132 = arith.constant 0 : i32
      %broadcast_in_dim3A_133 = vector.broadcast %broadcast_in_dim3A_132 : i32 to vector<16xi32>
      %swap3A_134 = arith.constant 160 : index
      %swap3A_135 = tpu.vector_load %arg5[%swap3A_134] {strides = array<i32>} : memref<256xi32, #tpu.memory_space<vmem>>, vector<16xi32>,
      tpu.vector_store %arg5[%swap3A_134], %broadcast_in_dim3A_133 {strides = array<i32>} : memref<256xi32, #tpu.memory_space<vmem>>, vector<16xi32>,
      %broadcast_in_dim3A_136 = arith.constant 0 : i32
      %broadcast_in_dim3A_137 = vector.broadcast %broadcast_in_dim3A_136 : i32 to vector<16xi32>
      %swap3A_138 = arith.constant 176 : index
      %swap3A_139 = tpu.vector_load %arg5[%swap3A_138] {strides = array<i32>} : memref<256xi32, #tpu.memory_space<vmem>>, vector<16xi32>,
      tpu.vector_store %arg5[%swap3A_138], %broadcast_in_dim3A_137 {strides = array<i32>} : memref<256xi32, #tpu.memory_space<vmem>>, vector<16xi32>,
      %broadcast_in_dim3A_140 = arith.constant 0 : i32
      %broadcast_in_dim3A_141 = vector.broadcast %broadcast_in_dim3A_140 : i32 to vector<16xi32>
      %swap3A_142 = arith.constant 192 : index
      %swap3A_143 = tpu.vector_load %arg5[%swap3A_142] {strides = array<i32>} : memref<256xi32, #tpu.memory_space<vmem>>, vector<16xi32>,
      tpu.vector_store %arg5[%swap3A_142], %broadcast_in_dim3A_141 {strides = array<i32>} : memref<256xi32, #tpu.memory_space<vmem>>, vector<16xi32>,
      %broadcast_in_dim3A_144 = arith.constant 0 : i32
      %broadcast_in_dim3A_145 = vector.broadcast %broadcast_in_dim3A_144 : i32 to vector<16xi32>
      %swap3A_146 = arith.constant 208 : index
      %swap3A_147 = tpu.vector_load %arg5[%swap3A_146] {strides = array<i32>} : memref<256xi32, #tpu.memory_space<vmem>>, vector<16xi32>,
      tpu.vector_store %arg5[%swap3A_146], %broadcast_in_dim3A_145 {strides = array<i32>} : memref<256xi32, #tpu.memory_space<vmem>>, vector<16xi32>,
      %broadcast_in_dim3A_148 = arith.constant 0 : i32
      %broadcast_in_dim3A_149 = vector.broadcast %broadcast_in_dim3A_148 : i32 to vector<16xi32>
      %swap3A_150 = arith.constant 224 : index
      %swap3A_151 = tpu.vector_load %arg5[%swap3A_150] {strides = array<i32>} : memref<256xi32, #tpu.memory_space<vmem>>, vector<16xi32>,
      tpu.vector_store %arg5[%swap3A_150], %broadcast_in_dim3A_149 {strides = array<i32>} : memref<256xi32, #tpu.memory_space<vmem>>, vector<16xi32>,
      %broadcast_in_dim3A_152 = arith.constant 0 : i32
      %broadcast_in_dim3A_153 = vector.broadcast %broadcast_in_dim3A_152 : i32 to vector<16xi32>
      %swap3A_154 = arith.constant 240 : index
      %swap3A_155 = tpu.vector_load %arg5[%swap3A_154] {strides = array<i32>} : memref<256xi32, #tpu.memory_space<vmem>>, vector<16xi32>,
      tpu.vector_store %arg5[%swap3A_154], %broadcast_in_dim3A_153 {strides = array<i32>} : memref<256xi32, #tpu.memory_space<vmem>>, vector<16xi32>,
      %scan3A_156 = arith.constant 0 : i32
      %scan3A_157 = arith.constant 0 : i32
      %scan3A_158 = arith.constant 36 : i32
      %scan3A_159 = arith.addi %scan3A_157, %scan3A_158 : i32
      %scan3A_160 = arith.constant 1 : i32
      scf.for %scan3A_368 = %scan3A_157 to %scan3A_159 step %scan3A_160  : i32 {
        %mul3A_369 = arith.constant 64 : i32
        %mul3A_370 = arith.muli %scan3A_368, %mul3A_369 : i32
        %add3A_371 = arith.constant 0 : i32
        %add3A_372 = arith.addi %mul3A_370, %add3A_371 : i32
        %get3A = arith.index_cast %add3A_372 : i32 to index
        %get3A_373 = tpu.vector_load %arg4[%get3A] {strides = array<i32>} : memref<2304xi32, #tpu.memory_space<vmem>>, vector<16xi32>,
        %shift_right_logical3A = arith.constant 23 : i32
        %shift_right_logical3A_374 = vector.broadcast %shift_right_logical3A : i32 to vector<16xi32>
        %shift_right_logical3A_375 = arith.shrui %get3A_373, %shift_right_logical3A_374 : vector<16xi32>
        %eq3A = vector.broadcast %or3A : i32 to vector<16xi32>
        %eq3A_376 = arith.cmpi eq, %shift_right_logical3A_375, %eq3A : vector<16xi32>
        %shift_right_logical3A_377 = arith.constant 15 : i32
        %shift_right_logical3A_378 = vector.broadcast %shift_right_logical3A_377 : i32 to vector<16xi32>
        %shift_right_logical3A_379 = arith.shrui %get3A_373, %shift_right_logical3A_378 : vector<16xi32>
        %and3A = arith.constant 255 : i32
        %and3A_380 = vector.broadcast %and3A : i32 to vector<16xi32>
        %and3A_381 = arith.andi %shift_right_logical3A_379, %and3A_380 : vector<16xi32>
        %broadcast_in_dim3A_382 = arith.constant 1 : i32
        %broadcast_in_dim3A_383 = vector.broadcast %broadcast_in_dim3A_382 : i32 to vector<16xi32>
        tpu.vector_store_idx %arg5[%and3A_381], %broadcast_in_dim3A_383 masked %eq3A_376 {add = true} : memref<256xi32, #tpu.memory_space<vmem>>[vector<16xi32>], vector<16xi32>, vector<16xi1>
        %add3A_384 = arith.constant 16 : i32
        %add3A_385 = arith.addi %mul3A_370, %add3A_384 : i32
        %get3A_386 = arith.index_cast %add3A_385 : i32 to index
        %get3A_387 = tpu.vector_load %arg4[%get3A_386] {strides = array<i32>} : memref<2304xi32, #tpu.memory_space<vmem>>, vector<16xi32>,
        %shift_right_logical3A_388 = arith.constant 23 : i32
        %shift_right_logical3A_389 = vector.broadcast %shift_right_logical3A_388 : i32 to vector<16xi32>
        %shift_right_logical3A_390 = arith.shrui %get3A_387, %shift_right_logical3A_389 : vector<16xi32>
        %eq3A_391 = vector.broadcast %or3A : i32 to vector<16xi32>
        %eq3A_392 = arith.cmpi eq, %shift_right_logical3A_390, %eq3A_391 : vector<16xi32>
        %shift_right_logical3A_393 = arith.constant 15 : i32
        %shift_right_logical3A_394 = vector.broadcast %shift_right_logical3A_393 : i32 to vector<16xi32>
        %shift_right_logical3A_395 = arith.shrui %get3A_387, %shift_right_logical3A_394 : vector<16xi32>
        %and3A_396 = arith.constant 255 : i32
        %and3A_397 = vector.broadcast %and3A_396 : i32 to vector<16xi32>
        %and3A_398 = arith.andi %shift_right_logical3A_395, %and3A_397 : vector<16xi32>
        %broadcast_in_dim3A_399 = arith.constant 1 : i32
        %broadcast_in_dim3A_400 = vector.broadcast %broadcast_in_dim3A_399 : i32 to vector<16xi32>
        tpu.vector_store_idx %arg5[%and3A_398], %broadcast_in_dim3A_400 masked %eq3A_392 {add = true} : memref<256xi32, #tpu.memory_space<vmem>>[vector<16xi32>], vector<16xi32>, vector<16xi1>
        %add3A_401 = arith.constant 32 : i32
        %add3A_402 = arith.addi %mul3A_370, %add3A_401 : i32
        %get3A_403 = arith.index_cast %add3A_402 : i32 to index
        %get3A_404 = tpu.vector_load %arg4[%get3A_403] {strides = array<i32>} : memref<2304xi32, #tpu.memory_space<vmem>>, vector<16xi32>,
        %shift_right_logical3A_405 = arith.constant 23 : i32
        %shift_right_logical3A_406 = vector.broadcast %shift_right_logical3A_405 : i32 to vector<16xi32>
        %shift_right_logical3A_407 = arith.shrui %get3A_404, %shift_right_logical3A_406 : vector<16xi32>
        %eq3A_408 = vector.broadcast %or3A : i32 to vector<16xi32>
        %eq3A_409 = arith.cmpi eq, %shift_right_logical3A_407, %eq3A_408 : vector<16xi32>
        %shift_right_logical3A_410 = arith.constant 15 : i32
        %shift_right_logical3A_411 = vector.broadcast %shift_right_logical3A_410 : i32 to vector<16xi32>
        %shift_right_logical3A_412 = arith.shrui %get3A_404, %shift_right_logical3A_411 : vector<16xi32>
        %and3A_413 = arith.constant 255 : i32
        %and3A_414 = vector.broadcast %and3A_413 : i32 to vector<16xi32>
        %and3A_415 = arith.andi %shift_right_logical3A_412, %and3A_414 : vector<16xi32>
        %broadcast_in_dim3A_416 = arith.constant 1 : i32
        %broadcast_in_dim3A_417 = vector.broadcast %broadcast_in_dim3A_416 : i32 to vector<16xi32>
        tpu.vector_store_idx %arg5[%and3A_415], %broadcast_in_dim3A_417 masked %eq3A_409 {add = true} : memref<256xi32, #tpu.memory_space<vmem>>[vector<16xi32>], vector<16xi32>, vector<16xi1>
        %add3A_418 = arith.constant 48 : i32
        %add3A_419 = arith.addi %mul3A_370, %add3A_418 : i32
        %get3A_420 = arith.index_cast %add3A_419 : i32 to index
        %get3A_421 = tpu.vector_load %arg4[%get3A_420] {strides = array<i32>} : memref<2304xi32, #tpu.memory_space<vmem>>, vector<16xi32>,
        %shift_right_logical3A_422 = arith.constant 23 : i32
        %shift_right_logical3A_423 = vector.broadcast %shift_right_logical3A_422 : i32 to vector<16xi32>
        %shift_right_logical3A_424 = arith.shrui %get3A_421, %shift_right_logical3A_423 : vector<16xi32>
        %eq3A_425 = vector.broadcast %or3A : i32 to vector<16xi32>
        %eq3A_426 = arith.cmpi eq, %shift_right_logical3A_424, %eq3A_425 : vector<16xi32>
        %shift_right_logical3A_427 = arith.constant 15 : i32
        %shift_right_logical3A_428 = vector.broadcast %shift_right_logical3A_427 : i32 to vector<16xi32>
        %shift_right_logical3A_429 = arith.shrui %get3A_421, %shift_right_logical3A_428 : vector<16xi32>
        %and3A_430 = arith.constant 255 : i32
        %and3A_431 = vector.broadcast %and3A_430 : i32 to vector<16xi32>
        %and3A_432 = arith.andi %shift_right_logical3A_429, %and3A_431 : vector<16xi32>
        %broadcast_in_dim3A_433 = arith.constant 1 : i32
        %broadcast_in_dim3A_434 = vector.broadcast %broadcast_in_dim3A_433 : i32 to vector<16xi32>
        tpu.vector_store_idx %arg5[%and3A_432], %broadcast_in_dim3A_434 masked %eq3A_426 {add = true} : memref<256xi32, #tpu.memory_space<vmem>>[vector<16xi32>], vector<16xi32>, vector<16xi1>
      }
      %scan3A_161 = arith.constant 36 : i32
      %scan3A_162 = arith.constant 0 : i32
      %scan3A_163 = arith.constant 0 : i32
      %scan3A_164 = arith.constant 0 : i32
      %scan3A_165 = arith.constant 16 : i32
      %scan3A_166 = arith.addi %scan3A_164, %scan3A_165 : i32
      %scan3A_167 = arith.constant 1 : i32
      %scan3A_168:2 = scf.for %scan3A_368 = %scan3A_164 to %scan3A_166 step %scan3A_167 iter_args(%scan3A_369 = %scan3A_162, %scan3A_370 = %scan3A_163) -> (i32, i32)  : i32 {
        %sub3A_371 = arith.constant 15 : i32
        %sub3A_372 = arith.subi %sub3A_371, %scan3A_368 : i32
        %mul3A_373 = arith.constant 16 : i32
        %mul3A_374 = arith.muli %sub3A_372, %mul3A_373 : i32
        %get3A = arith.index_cast %mul3A_374 : i32 to index
        %get3A_375 = tpu.vector_load %arg5[%get3A] {strides = array<i32>} : memref<256xi32, #tpu.memory_space<vmem>>, vector<16xi32>,
        %rev3A = arith.constant 15 : i32
        %rev3A_376 = vector.broadcast %rev3A : i32 to vector<16xi32>
        %rev3A_377 = tpu.iota {dimensions = array<i32: 0>} : vector<16xi32>
        %rev3A_378 = arith.subi %rev3A_376, %rev3A_377 : vector<16xi32>
        %rev3A_379 = tpu.dynamic_gather %get3A_375[%rev3A_378] in [0] : vector<16xi32>, vector<16xi32> -> vector<16xi32>
        %cumsum3A = arith.constant true
        %cumsum3A_380 = vector.broadcast %cumsum3A : i1 to vector<16xi1>
        %cumsum3A_381 = tpu.scan <sum>, %rev3A_379 masked %cumsum3A_380 : vector<16xi32>, vector<16xi1> -> vector<16xi32>
        %add3A_382 = vector.broadcast %scan3A_369 : i32 to vector<16xi32>
        %add3A_383 = arith.addi %add3A_382, %cumsum3A_381 : vector<16xi32>
        %ge3A = vector.broadcast %sub3A_91 : i32 to vector<16xi32>
        %ge3A_384 = arith.cmpi sge, %add3A_383, %ge3A : vector<16xi32>
        %convert_element_type3A_385 = arith.extui %ge3A_384 : vector<16xi1> to vector<16xi32>
        %reduce_sum3A = arith.constant true
        %reduce_sum3A_386 = vector.broadcast %reduce_sum3A : i1 to vector<16xi1>
        %reduce_sum3A_387 = tpu.scan <sum>, %convert_element_type3A_385 masked %reduce_sum3A_386 : vector<16xi32>, vector<16xi1> -> vector<16xi32>
        %reduce_sum3A_388 = vector.extract %reduce_sum3A_387[15] : i32 from vector<16xi32>
        %add3A_389 = arith.addi %scan3A_370, %reduce_sum3A_388 : i32
        %reduce_sum3A_390 = arith.constant true
        %reduce_sum3A_391 = vector.broadcast %reduce_sum3A_390 : i1 to vector<16xi1>
        %reduce_sum3A_392 = tpu.scan <sum>, %get3A_375 masked %reduce_sum3A_391 : vector<16xi32>, vector<16xi1> -> vector<16xi32>
        %reduce_sum3A_393 = vector.extract %reduce_sum3A_392[15] : i32 from vector<16xi32>
        %add3A_394 = arith.addi %scan3A_369, %reduce_sum3A_393 : i32
        scf.yield %add3A_394, %add3A_389 : i32, i32
      }
      %scan3A_169 = arith.constant 16 : i32
      %sub3A_170 = arith.constant 1 : i32
      %sub3A_171 = arith.subi %scan3A_168#1, %sub3A_170 : i32
      %scan3A_172 = arith.constant 0 : i32
      %scan3A_173 = arith.constant 0 : i32
      %scan3A_174 = arith.constant 16 : i32
      %scan3A_175 = arith.addi %scan3A_173, %scan3A_174 : i32
      %scan3A_176 = arith.constant 1 : i32
      %scan3A_177 = scf.for %scan3A_368 = %scan3A_173 to %scan3A_175 step %scan3A_176 iter_args(%scan3A_369 = %scan3A_172) -> (i32)  : i32 {
        %mul3A_370 = arith.constant 16 : i32
        %mul3A_371 = arith.muli %scan3A_368, %mul3A_370 : i32
        %get3A = arith.index_cast %mul3A_371 : i32 to index
        %get3A_372 = tpu.vector_load %arg5[%get3A] {strides = array<i32>} : memref<256xi32, #tpu.memory_space<vmem>>, vector<16xi32>,
        %mul3A_373 = arith.constant 16 : i32
        %mul3A_374 = arith.muli %scan3A_368, %mul3A_373 : i32
        %iota3A = tpu.iota {dimensions = array<i32: 0>} : vector<16xi32>
        %add3A_375 = vector.broadcast %mul3A_374 : i32 to vector<16xi32>
        %add3A_376 = arith.addi %add3A_375, %iota3A : vector<16xi32>
        %gt3A = vector.broadcast %sub3A_171 : i32 to vector<16xi32>
        %gt3A_377 = arith.cmpi sgt, %add3A_376, %gt3A : vector<16xi32>
        %jit3A = arith.constant 0 : i32
        %broadcast_in_dim3A_378 = vector.broadcast %jit3A : i32 to vector<16xi32>
        %select_n3A = arith.select %gt3A_377, %get3A_372, %broadcast_in_dim3A_378 : vector<16xi1>, vector<16xi32>
        %reduce_sum3A = arith.constant true
        %reduce_sum3A_379 = vector.broadcast %reduce_sum3A : i1 to vector<16xi1>
        %reduce_sum3A_380 = tpu.scan <sum>, %select_n3A masked %reduce_sum3A_379 : vector<16xi32>, vector<16xi1> -> vector<16xi32>
        %reduce_sum3A_381 = vector.extract %reduce_sum3A_380[15] : i32 from vector<16xi32>
        %add3A_382 = arith.addi %scan3A_369, %reduce_sum3A_381 : i32
        scf.yield %add3A_382 : i32
      }
      %scan3A_178 = arith.constant 16 : i32
      %shift_left3A_179 = arith.constant 8 : i32
      %shift_left3A_180 = arith.shli %or3A, %shift_left3A_179 : i32
      %or3A_181 = arith.ori %shift_left3A_180, %sub3A_171 : i32
      %sub3A_182 = arith.subi %sub3A_91, %scan3A_177 : i32
      %broadcast_in_dim3A_183 = arith.constant 0 : i32
      %broadcast_in_dim3A_184 = vector.broadcast %broadcast_in_dim3A_183 : i32 to vector<16xi32>
      %swap3A_185 = arith.constant 0 : index
      %swap3A_186 = tpu.vector_load %arg5[%swap3A_185] {strides = array<i32>} : memref<256xi32, #tpu.memory_space<vmem>>, vector<16xi32>,
      tpu.vector_store %arg5[%swap3A_185], %broadcast_in_dim3A_184 {strides = array<i32>} : memref<256xi32, #tpu.memory_space<vmem>>, vector<16xi32>,
      %broadcast_in_dim3A_187 = arith.constant 0 : i32
      %broadcast_in_dim3A_188 = vector.broadcast %broadcast_in_dim3A_187 : i32 to vector<16xi32>
      %swap3A_189 = arith.constant 16 : index
      %swap3A_190 = tpu.vector_load %arg5[%swap3A_189] {strides = array<i32>} : memref<256xi32, #tpu.memory_space<vmem>>, vector<16xi32>,
      tpu.vector_store %arg5[%swap3A_189], %broadcast_in_dim3A_188 {strides = array<i32>} : memref<256xi32, #tpu.memory_space<vmem>>, vector<16xi32>,
      %broadcast_in_dim3A_191 = arith.constant 0 : i32
      %broadcast_in_dim3A_192 = vector.broadcast %broadcast_in_dim3A_191 : i32 to vector<16xi32>
      %swap3A_193 = arith.constant 32 : index
      %swap3A_194 = tpu.vector_load %arg5[%swap3A_193] {strides = array<i32>} : memref<256xi32, #tpu.memory_space<vmem>>, vector<16xi32>,
      tpu.vector_store %arg5[%swap3A_193], %broadcast_in_dim3A_192 {strides = array<i32>} : memref<256xi32, #tpu.memory_space<vmem>>, vector<16xi32>,
      %broadcast_in_dim3A_195 = arith.constant 0 : i32
      %broadcast_in_dim3A_196 = vector.broadcast %broadcast_in_dim3A_195 : i32 to vector<16xi32>
      %swap3A_197 = arith.constant 48 : index
      %swap3A_198 = tpu.vector_load %arg5[%swap3A_197] {strides = array<i32>} : memref<256xi32, #tpu.memory_space<vmem>>, vector<16xi32>,
      tpu.vector_store %arg5[%swap3A_197], %broadcast_in_dim3A_196 {strides = array<i32>} : memref<256xi32, #tpu.memory_space<vmem>>, vector<16xi32>,
      %broadcast_in_dim3A_199 = arith.constant 0 : i32
      %broadcast_in_dim3A_200 = vector.broadcast %broadcast_in_dim3A_199 : i32 to vector<16xi32>
      %swap3A_201 = arith.constant 64 : index
      %swap3A_202 = tpu.vector_load %arg5[%swap3A_201] {strides = array<i32>} : memref<256xi32, #tpu.memory_space<vmem>>, vector<16xi32>,
      tpu.vector_store %arg5[%swap3A_201], %broadcast_in_dim3A_200 {strides = array<i32>} : memref<256xi32, #tpu.memory_space<vmem>>, vector<16xi32>,
      %broadcast_in_dim3A_203 = arith.constant 0 : i32
      %broadcast_in_dim3A_204 = vector.broadcast %broadcast_in_dim3A_203 : i32 to vector<16xi32>
      %swap3A_205 = arith.constant 80 : index
      %swap3A_206 = tpu.vector_load %arg5[%swap3A_205] {strides = array<i32>} : memref<256xi32, #tpu.memory_space<vmem>>, vector<16xi32>,
      tpu.vector_store %arg5[%swap3A_205], %broadcast_in_dim3A_204 {strides = array<i32>} : memref<256xi32, #tpu.memory_space<vmem>>, vector<16xi32>,
      %broadcast_in_dim3A_207 = arith.constant 0 : i32
      %broadcast_in_dim3A_208 = vector.broadcast %broadcast_in_dim3A_207 : i32 to vector<16xi32>
      %swap3A_209 = arith.constant 96 : index
      %swap3A_210 = tpu.vector_load %arg5[%swap3A_209] {strides = array<i32>} : memref<256xi32, #tpu.memory_space<vmem>>, vector<16xi32>,
      tpu.vector_store %arg5[%swap3A_209], %broadcast_in_dim3A_208 {strides = array<i32>} : memref<256xi32, #tpu.memory_space<vmem>>, vector<16xi32>,
      %broadcast_in_dim3A_211 = arith.constant 0 : i32
      %broadcast_in_dim3A_212 = vector.broadcast %broadcast_in_dim3A_211 : i32 to vector<16xi32>
      %swap3A_213 = arith.constant 112 : index
      %swap3A_214 = tpu.vector_load %arg5[%swap3A_213] {strides = array<i32>} : memref<256xi32, #tpu.memory_space<vmem>>, vector<16xi32>,
      tpu.vector_store %arg5[%swap3A_213], %broadcast_in_dim3A_212 {strides = array<i32>} : memref<256xi32, #tpu.memory_space<vmem>>, vector<16xi32>,
      %broadcast_in_dim3A_215 = arith.constant 0 : i32
      %broadcast_in_dim3A_216 = vector.broadcast %broadcast_in_dim3A_215 : i32 to vector<16xi32>
      %swap3A_217 = arith.constant 128 : index
      %swap3A_218 = tpu.vector_load %arg5[%swap3A_217] {strides = array<i32>} : memref<256xi32, #tpu.memory_space<vmem>>, vector<16xi32>,
      tpu.vector_store %arg5[%swap3A_217], %broadcast_in_dim3A_216 {strides = array<i32>} : memref<256xi32, #tpu.memory_space<vmem>>, vector<16xi32>,
      %broadcast_in_dim3A_219 = arith.constant 0 : i32
      %broadcast_in_dim3A_220 = vector.broadcast %broadcast_in_dim3A_219 : i32 to vector<16xi32>
      %swap3A_221 = arith.constant 144 : index
      %swap3A_222 = tpu.vector_load %arg5[%swap3A_221] {strides = array<i32>} : memref<256xi32, #tpu.memory_space<vmem>>, vector<16xi32>,
      tpu.vector_store %arg5[%swap3A_221], %broadcast_in_dim3A_220 {strides = array<i32>} : memref<256xi32, #tpu.memory_space<vmem>>, vector<16xi32>,
      %broadcast_in_dim3A_223 = arith.constant 0 : i32
      %broadcast_in_dim3A_224 = vector.broadcast %broadcast_in_dim3A_223 : i32 to vector<16xi32>
      %swap3A_225 = arith.constant 160 : index
      %swap3A_226 = tpu.vector_load %arg5[%swap3A_225] {strides = array<i32>} : memref<256xi32, #tpu.memory_space<vmem>>, vector<16xi32>,
      tpu.vector_store %arg5[%swap3A_225], %broadcast_in_dim3A_224 {strides = array<i32>} : memref<256xi32, #tpu.memory_space<vmem>>, vector<16xi32>,
      %broadcast_in_dim3A_227 = arith.constant 0 : i32
      %broadcast_in_dim3A_228 = vector.broadcast %broadcast_in_dim3A_227 : i32 to vector<16xi32>
      %swap3A_229 = arith.constant 176 : index
      %swap3A_230 = tpu.vector_load %arg5[%swap3A_229] {strides = array<i32>} : memref<256xi32, #tpu.memory_space<vmem>>, vector<16xi32>,
      tpu.vector_store %arg5[%swap3A_229], %broadcast_in_dim3A_228 {strides = array<i32>} : memref<256xi32, #tpu.memory_space<vmem>>, vector<16xi32>,
      %broadcast_in_dim3A_231 = arith.constant 0 : i32
      %broadcast_in_dim3A_232 = vector.broadcast %broadcast_in_dim3A_231 : i32 to vector<16xi32>
      %swap3A_233 = arith.constant 192 : index
      %swap3A_234 = tpu.vector_load %arg5[%swap3A_233] {strides = array<i32>} : memref<256xi32, #tpu.memory_space<vmem>>, vector<16xi32>,
      tpu.vector_store %arg5[%swap3A_233], %broadcast_in_dim3A_232 {strides = array<i32>} : memref<256xi32, #tpu.memory_space<vmem>>, vector<16xi32>,
      %broadcast_in_dim3A_235 = arith.constant 0 : i32
      %broadcast_in_dim3A_236 = vector.broadcast %broadcast_in_dim3A_235 : i32 to vector<16xi32>
      %swap3A_237 = arith.constant 208 : index
      %swap3A_238 = tpu.vector_load %arg5[%swap3A_237] {strides = array<i32>} : memref<256xi32, #tpu.memory_space<vmem>>, vector<16xi32>,
      tpu.vector_store %arg5[%swap3A_237], %broadcast_in_dim3A_236 {strides = array<i32>} : memref<256xi32, #tpu.memory_space<vmem>>, vector<16xi32>,
      %broadcast_in_dim3A_239 = arith.constant 0 : i32
      %broadcast_in_dim3A_240 = vector.broadcast %broadcast_in_dim3A_239 : i32 to vector<16xi32>
      %swap3A_241 = arith.constant 224 : index
      %swap3A_242 = tpu.vector_load %arg5[%swap3A_241] {strides = array<i32>} : memref<256xi32, #tpu.memory_space<vmem>>, vector<16xi32>,
      tpu.vector_store %arg5[%swap3A_241], %broadcast_in_dim3A_240 {strides = array<i32>} : memref<256xi32, #tpu.memory_space<vmem>>, vector<16xi32>,
      %broadcast_in_dim3A_243 = arith.constant 0 : i32
      %broadcast_in_dim3A_244 = vector.broadcast %broadcast_in_dim3A_243 : i32 to vector<16xi32>
      %swap3A_245 = arith.constant 240 : index
      %swap3A_246 = tpu.vector_load %arg5[%swap3A_245] {strides = array<i32>} : memref<256xi32, #tpu.memory_space<vmem>>, vector<16xi32>,
      tpu.vector_store %arg5[%swap3A_245], %broadcast_in_dim3A_244 {strides = array<i32>} : memref<256xi32, #tpu.memory_space<vmem>>, vector<16xi32>,
      %scan3A_247 = arith.constant 0 : i32
      %scan3A_248 = arith.constant 0 : i32
      %scan3A_249 = arith.constant 36 : i32
      %scan3A_250 = arith.addi %scan3A_248, %scan3A_249 : i32
      %scan3A_251 = arith.constant 1 : i32
      scf.for %scan3A_368 = %scan3A_248 to %scan3A_250 step %scan3A_251  : i32 {
        %mul3A_369 = arith.constant 64 : i32
        %mul3A_370 = arith.muli %scan3A_368, %mul3A_369 : i32
        %add3A_371 = arith.constant 0 : i32
        %add3A_372 = arith.addi %mul3A_370, %add3A_371 : i32
        %get3A = arith.index_cast %add3A_372 : i32 to index
        %get3A_373 = tpu.vector_load %arg4[%get3A] {strides = array<i32>} : memref<2304xi32, #tpu.memory_space<vmem>>, vector<16xi32>,
        %shift_right_logical3A = arith.constant 15 : i32
        %shift_right_logical3A_374 = vector.broadcast %shift_right_logical3A : i32 to vector<16xi32>
        %shift_right_logical3A_375 = arith.shrui %get3A_373, %shift_right_logical3A_374 : vector<16xi32>
        %eq3A = vector.broadcast %or3A_181 : i32 to vector<16xi32>
        %eq3A_376 = arith.cmpi eq, %shift_right_logical3A_375, %eq3A : vector<16xi32>
        %shift_right_logical3A_377 = arith.constant 7 : i32
        %shift_right_logical3A_378 = vector.broadcast %shift_right_logical3A_377 : i32 to vector<16xi32>
        %shift_right_logical3A_379 = arith.shrui %get3A_373, %shift_right_logical3A_378 : vector<16xi32>
        %and3A = arith.constant 255 : i32
        %and3A_380 = vector.broadcast %and3A : i32 to vector<16xi32>
        %and3A_381 = arith.andi %shift_right_logical3A_379, %and3A_380 : vector<16xi32>
        %broadcast_in_dim3A_382 = arith.constant 1 : i32
        %broadcast_in_dim3A_383 = vector.broadcast %broadcast_in_dim3A_382 : i32 to vector<16xi32>
        tpu.vector_store_idx %arg5[%and3A_381], %broadcast_in_dim3A_383 masked %eq3A_376 {add = true} : memref<256xi32, #tpu.memory_space<vmem>>[vector<16xi32>], vector<16xi32>, vector<16xi1>
        %add3A_384 = arith.constant 16 : i32
        %add3A_385 = arith.addi %mul3A_370, %add3A_384 : i32
        %get3A_386 = arith.index_cast %add3A_385 : i32 to index
        %get3A_387 = tpu.vector_load %arg4[%get3A_386] {strides = array<i32>} : memref<2304xi32, #tpu.memory_space<vmem>>, vector<16xi32>,
        %shift_right_logical3A_388 = arith.constant 15 : i32
        %shift_right_logical3A_389 = vector.broadcast %shift_right_logical3A_388 : i32 to vector<16xi32>
        %shift_right_logical3A_390 = arith.shrui %get3A_387, %shift_right_logical3A_389 : vector<16xi32>
        %eq3A_391 = vector.broadcast %or3A_181 : i32 to vector<16xi32>
        %eq3A_392 = arith.cmpi eq, %shift_right_logical3A_390, %eq3A_391 : vector<16xi32>
        %shift_right_logical3A_393 = arith.constant 7 : i32
        %shift_right_logical3A_394 = vector.broadcast %shift_right_logical3A_393 : i32 to vector<16xi32>
        %shift_right_logical3A_395 = arith.shrui %get3A_387, %shift_right_logical3A_394 : vector<16xi32>
        %and3A_396 = arith.constant 255 : i32
        %and3A_397 = vector.broadcast %and3A_396 : i32 to vector<16xi32>
        %and3A_398 = arith.andi %shift_right_logical3A_395, %and3A_397 : vector<16xi32>
        %broadcast_in_dim3A_399 = arith.constant 1 : i32
        %broadcast_in_dim3A_400 = vector.broadcast %broadcast_in_dim3A_399 : i32 to vector<16xi32>
        tpu.vector_store_idx %arg5[%and3A_398], %broadcast_in_dim3A_400 masked %eq3A_392 {add = true} : memref<256xi32, #tpu.memory_space<vmem>>[vector<16xi32>], vector<16xi32>, vector<16xi1>
        %add3A_401 = arith.constant 32 : i32
        %add3A_402 = arith.addi %mul3A_370, %add3A_401 : i32
        %get3A_403 = arith.index_cast %add3A_402 : i32 to index
        %get3A_404 = tpu.vector_load %arg4[%get3A_403] {strides = array<i32>} : memref<2304xi32, #tpu.memory_space<vmem>>, vector<16xi32>,
        %shift_right_logical3A_405 = arith.constant 15 : i32
        %shift_right_logical3A_406 = vector.broadcast %shift_right_logical3A_405 : i32 to vector<16xi32>
        %shift_right_logical3A_407 = arith.shrui %get3A_404, %shift_right_logical3A_406 : vector<16xi32>
        %eq3A_408 = vector.broadcast %or3A_181 : i32 to vector<16xi32>
        %eq3A_409 = arith.cmpi eq, %shift_right_logical3A_407, %eq3A_408 : vector<16xi32>
        %shift_right_logical3A_410 = arith.constant 7 : i32
        %shift_right_logical3A_411 = vector.broadcast %shift_right_logical3A_410 : i32 to vector<16xi32>
        %shift_right_logical3A_412 = arith.shrui %get3A_404, %shift_right_logical3A_411 : vector<16xi32>
        %and3A_413 = arith.constant 255 : i32
        %and3A_414 = vector.broadcast %and3A_413 : i32 to vector<16xi32>
        %and3A_415 = arith.andi %shift_right_logical3A_412, %and3A_414 : vector<16xi32>
        %broadcast_in_dim3A_416 = arith.constant 1 : i32
        %broadcast_in_dim3A_417 = vector.broadcast %broadcast_in_dim3A_416 : i32 to vector<16xi32>
        tpu.vector_store_idx %arg5[%and3A_415], %broadcast_in_dim3A_417 masked %eq3A_409 {add = true} : memref<256xi32, #tpu.memory_space<vmem>>[vector<16xi32>], vector<16xi32>, vector<16xi1>
        %add3A_418 = arith.constant 48 : i32
        %add3A_419 = arith.addi %mul3A_370, %add3A_418 : i32
        %get3A_420 = arith.index_cast %add3A_419 : i32 to index
        %get3A_421 = tpu.vector_load %arg4[%get3A_420] {strides = array<i32>} : memref<2304xi32, #tpu.memory_space<vmem>>, vector<16xi32>,
        %shift_right_logical3A_422 = arith.constant 15 : i32
        %shift_right_logical3A_423 = vector.broadcast %shift_right_logical3A_422 : i32 to vector<16xi32>
        %shift_right_logical3A_424 = arith.shrui %get3A_421, %shift_right_logical3A_423 : vector<16xi32>
        %eq3A_425 = vector.broadcast %or3A_181 : i32 to vector<16xi32>
        %eq3A_426 = arith.cmpi eq, %shift_right_logical3A_424, %eq3A_425 : vector<16xi32>
        %shift_right_logical3A_427 = arith.constant 7 : i32
        %shift_right_logical3A_428 = vector.broadcast %shift_right_logical3A_427 : i32 to vector<16xi32>
        %shift_right_logical3A_429 = arith.shrui %get3A_421, %shift_right_logical3A_428 : vector<16xi32>
        %and3A_430 = arith.constant 255 : i32
        %and3A_431 = vector.broadcast %and3A_430 : i32 to vector<16xi32>
        %and3A_432 = arith.andi %shift_right_logical3A_429, %and3A_431 : vector<16xi32>
        %broadcast_in_dim3A_433 = arith.constant 1 : i32
        %broadcast_in_dim3A_434 = vector.broadcast %broadcast_in_dim3A_433 : i32 to vector<16xi32>
        tpu.vector_store_idx %arg5[%and3A_432], %broadcast_in_dim3A_434 masked %eq3A_426 {add = true} : memref<256xi32, #tpu.memory_space<vmem>>[vector<16xi32>], vector<16xi32>, vector<16xi1>
      }
      %scan3A_252 = arith.constant 36 : i32
      %scan3A_253 = arith.constant 0 : i32
      %scan3A_254 = arith.constant 0 : i32
      %scan3A_255 = arith.constant 0 : i32
      %scan3A_256 = arith.constant 16 : i32
      %scan3A_257 = arith.addi %scan3A_255, %scan3A_256 : i32
      %scan3A_258 = arith.constant 1 : i32
      %scan3A_259:2 = scf.for %scan3A_368 = %scan3A_255 to %scan3A_257 step %scan3A_258 iter_args(%scan3A_369 = %scan3A_253, %scan3A_370 = %scan3A_254) -> (i32, i32)  : i32 {
        %sub3A_371 = arith.constant 15 : i32
        %sub3A_372 = arith.subi %sub3A_371, %scan3A_368 : i32
        %mul3A_373 = arith.constant 16 : i32
        %mul3A_374 = arith.muli %sub3A_372, %mul3A_373 : i32
        %get3A = arith.index_cast %mul3A_374 : i32 to index
        %get3A_375 = tpu.vector_load %arg5[%get3A] {strides = array<i32>} : memref<256xi32, #tpu.memory_space<vmem>>, vector<16xi32>,
        %rev3A = arith.constant 15 : i32
        %rev3A_376 = vector.broadcast %rev3A : i32 to vector<16xi32>
        %rev3A_377 = tpu.iota {dimensions = array<i32: 0>} : vector<16xi32>
        %rev3A_378 = arith.subi %rev3A_376, %rev3A_377 : vector<16xi32>
        %rev3A_379 = tpu.dynamic_gather %get3A_375[%rev3A_378] in [0] : vector<16xi32>, vector<16xi32> -> vector<16xi32>
        %cumsum3A = arith.constant true
        %cumsum3A_380 = vector.broadcast %cumsum3A : i1 to vector<16xi1>
        %cumsum3A_381 = tpu.scan <sum>, %rev3A_379 masked %cumsum3A_380 : vector<16xi32>, vector<16xi1> -> vector<16xi32>
        %add3A_382 = vector.broadcast %scan3A_369 : i32 to vector<16xi32>
        %add3A_383 = arith.addi %add3A_382, %cumsum3A_381 : vector<16xi32>
        %ge3A = vector.broadcast %sub3A_182 : i32 to vector<16xi32>
        %ge3A_384 = arith.cmpi sge, %add3A_383, %ge3A : vector<16xi32>
        %convert_element_type3A_385 = arith.extui %ge3A_384 : vector<16xi1> to vector<16xi32>
        %reduce_sum3A = arith.constant true
        %reduce_sum3A_386 = vector.broadcast %reduce_sum3A : i1 to vector<16xi1>
        %reduce_sum3A_387 = tpu.scan <sum>, %convert_element_type3A_385 masked %reduce_sum3A_386 : vector<16xi32>, vector<16xi1> -> vector<16xi32>
        %reduce_sum3A_388 = vector.extract %reduce_sum3A_387[15] : i32 from vector<16xi32>
        %add3A_389 = arith.addi %scan3A_370, %reduce_sum3A_388 : i32
        %reduce_sum3A_390 = arith.constant true
        %reduce_sum3A_391 = vector.broadcast %reduce_sum3A_390 : i1 to vector<16xi1>
        %reduce_sum3A_392 = tpu.scan <sum>, %get3A_375 masked %reduce_sum3A_391 : vector<16xi32>, vector<16xi1> -> vector<16xi32>
        %reduce_sum3A_393 = vector.extract %reduce_sum3A_392[15] : i32 from vector<16xi32>
        %add3A_394 = arith.addi %scan3A_369, %reduce_sum3A_393 : i32
        scf.yield %add3A_394, %add3A_389 : i32, i32
      }
      %scan3A_260 = arith.constant 16 : i32
      %sub3A_261 = arith.constant 1 : i32
      %sub3A_262 = arith.subi %scan3A_259#1, %sub3A_261 : i32
      %scan3A_263 = arith.constant 0 : i32
      %scan3A_264 = arith.constant 0 : i32
      %scan3A_265 = arith.constant 16 : i32
      %scan3A_266 = arith.addi %scan3A_264, %scan3A_265 : i32
      %scan3A_267 = arith.constant 1 : i32
      %scan3A_268 = scf.for %scan3A_368 = %scan3A_264 to %scan3A_266 step %scan3A_267 iter_args(%scan3A_369 = %scan3A_263) -> (i32)  : i32 {
        %mul3A_370 = arith.constant 16 : i32
        %mul3A_371 = arith.muli %scan3A_368, %mul3A_370 : i32
        %get3A = arith.index_cast %mul3A_371 : i32 to index
        %get3A_372 = tpu.vector_load %arg5[%get3A] {strides = array<i32>} : memref<256xi32, #tpu.memory_space<vmem>>, vector<16xi32>,
        %mul3A_373 = arith.constant 16 : i32
        %mul3A_374 = arith.muli %scan3A_368, %mul3A_373 : i32
        %iota3A = tpu.iota {dimensions = array<i32: 0>} : vector<16xi32>
        %add3A_375 = vector.broadcast %mul3A_374 : i32 to vector<16xi32>
        %add3A_376 = arith.addi %add3A_375, %iota3A : vector<16xi32>
        %gt3A = vector.broadcast %sub3A_262 : i32 to vector<16xi32>
        %gt3A_377 = arith.cmpi sgt, %add3A_376, %gt3A : vector<16xi32>
        %jit3A = arith.constant 0 : i32
        %broadcast_in_dim3A_378 = vector.broadcast %jit3A : i32 to vector<16xi32>
        %select_n3A = arith.select %gt3A_377, %get3A_372, %broadcast_in_dim3A_378 : vector<16xi1>, vector<16xi32>
        %reduce_sum3A = arith.constant true
        %reduce_sum3A_379 = vector.broadcast %reduce_sum3A : i1 to vector<16xi1>
        %reduce_sum3A_380 = tpu.scan <sum>, %select_n3A masked %reduce_sum3A_379 : vector<16xi32>, vector<16xi1> -> vector<16xi32>
        %reduce_sum3A_381 = vector.extract %reduce_sum3A_380[15] : i32 from vector<16xi32>
        %add3A_382 = arith.addi %scan3A_369, %reduce_sum3A_381 : i32
        scf.yield %add3A_382 : i32
      }
      %scan3A_269 = arith.constant 16 : i32
      %shift_left3A_270 = arith.constant 8 : i32
      %shift_left3A_271 = arith.shli %or3A_181, %shift_left3A_270 : i32
      %or3A_272 = arith.ori %shift_left3A_271, %sub3A_262 : i32
      %sub3A_273 = arith.subi %sub3A_182, %scan3A_268 : i32
      %broadcast_in_dim3A_274 = arith.constant 0 : i32
      %broadcast_in_dim3A_275 = vector.broadcast %broadcast_in_dim3A_274 : i32 to vector<16xi32>
      %swap3A_276 = arith.constant 0 : index
      %swap3A_277 = tpu.vector_load %arg5[%swap3A_276] {strides = array<i32>} : memref<256xi32, #tpu.memory_space<vmem>>, vector<16xi32>,
      tpu.vector_store %arg5[%swap3A_276], %broadcast_in_dim3A_275 {strides = array<i32>} : memref<256xi32, #tpu.memory_space<vmem>>, vector<16xi32>,
      %broadcast_in_dim3A_278 = arith.constant 0 : i32
      %broadcast_in_dim3A_279 = vector.broadcast %broadcast_in_dim3A_278 : i32 to vector<16xi32>
      %swap3A_280 = arith.constant 16 : index
      %swap3A_281 = tpu.vector_load %arg5[%swap3A_280] {strides = array<i32>} : memref<256xi32, #tpu.memory_space<vmem>>, vector<16xi32>,
      tpu.vector_store %arg5[%swap3A_280], %broadcast_in_dim3A_279 {strides = array<i32>} : memref<256xi32, #tpu.memory_space<vmem>>, vector<16xi32>,
      %broadcast_in_dim3A_282 = arith.constant 0 : i32
      %broadcast_in_dim3A_283 = vector.broadcast %broadcast_in_dim3A_282 : i32 to vector<16xi32>
      %swap3A_284 = arith.constant 32 : index
      %swap3A_285 = tpu.vector_load %arg5[%swap3A_284] {strides = array<i32>} : memref<256xi32, #tpu.memory_space<vmem>>, vector<16xi32>,
      tpu.vector_store %arg5[%swap3A_284], %broadcast_in_dim3A_283 {strides = array<i32>} : memref<256xi32, #tpu.memory_space<vmem>>, vector<16xi32>,
      %broadcast_in_dim3A_286 = arith.constant 0 : i32
      %broadcast_in_dim3A_287 = vector.broadcast %broadcast_in_dim3A_286 : i32 to vector<16xi32>
      %swap3A_288 = arith.constant 48 : index
      %swap3A_289 = tpu.vector_load %arg5[%swap3A_288] {strides = array<i32>} : memref<256xi32, #tpu.memory_space<vmem>>, vector<16xi32>,
      tpu.vector_store %arg5[%swap3A_288], %broadcast_in_dim3A_287 {strides = array<i32>} : memref<256xi32, #tpu.memory_space<vmem>>, vector<16xi32>,
      %broadcast_in_dim3A_290 = arith.constant 0 : i32
      %broadcast_in_dim3A_291 = vector.broadcast %broadcast_in_dim3A_290 : i32 to vector<16xi32>
      %swap3A_292 = arith.constant 64 : index
      %swap3A_293 = tpu.vector_load %arg5[%swap3A_292] {strides = array<i32>} : memref<256xi32, #tpu.memory_space<vmem>>, vector<16xi32>,
      tpu.vector_store %arg5[%swap3A_292], %broadcast_in_dim3A_291 {strides = array<i32>} : memref<256xi32, #tpu.memory_space<vmem>>, vector<16xi32>,
      %broadcast_in_dim3A_294 = arith.constant 0 : i32
      %broadcast_in_dim3A_295 = vector.broadcast %broadcast_in_dim3A_294 : i32 to vector<16xi32>
      %swap3A_296 = arith.constant 80 : index
      %swap3A_297 = tpu.vector_load %arg5[%swap3A_296] {strides = array<i32>} : memref<256xi32, #tpu.memory_space<vmem>>, vector<16xi32>,
      tpu.vector_store %arg5[%swap3A_296], %broadcast_in_dim3A_295 {strides = array<i32>} : memref<256xi32, #tpu.memory_space<vmem>>, vector<16xi32>,
      %broadcast_in_dim3A_298 = arith.constant 0 : i32
      %broadcast_in_dim3A_299 = vector.broadcast %broadcast_in_dim3A_298 : i32 to vector<16xi32>
      %swap3A_300 = arith.constant 96 : index
      %swap3A_301 = tpu.vector_load %arg5[%swap3A_300] {strides = array<i32>} : memref<256xi32, #tpu.memory_space<vmem>>, vector<16xi32>,
      tpu.vector_store %arg5[%swap3A_300], %broadcast_in_dim3A_299 {strides = array<i32>} : memref<256xi32, #tpu.memory_space<vmem>>, vector<16xi32>,
      %broadcast_in_dim3A_302 = arith.constant 0 : i32
      %broadcast_in_dim3A_303 = vector.broadcast %broadcast_in_dim3A_302 : i32 to vector<16xi32>
      %swap3A_304 = arith.constant 112 : index
      %swap3A_305 = tpu.vector_load %arg5[%swap3A_304] {strides = array<i32>} : memref<256xi32, #tpu.memory_space<vmem>>, vector<16xi32>,
      tpu.vector_store %arg5[%swap3A_304], %broadcast_in_dim3A_303 {strides = array<i32>} : memref<256xi32, #tpu.memory_space<vmem>>, vector<16xi32>,
      %broadcast_in_dim3A_306 = arith.constant 0 : i32
      %broadcast_in_dim3A_307 = vector.broadcast %broadcast_in_dim3A_306 : i32 to vector<16xi32>
      %swap3A_308 = arith.constant 128 : index
      %swap3A_309 = tpu.vector_load %arg5[%swap3A_308] {strides = array<i32>} : memref<256xi32, #tpu.memory_space<vmem>>, vector<16xi32>,
      tpu.vector_store %arg5[%swap3A_308], %broadcast_in_dim3A_307 {strides = array<i32>} : memref<256xi32, #tpu.memory_space<vmem>>, vector<16xi32>,
      %broadcast_in_dim3A_310 = arith.constant 0 : i32
      %broadcast_in_dim3A_311 = vector.broadcast %broadcast_in_dim3A_310 : i32 to vector<16xi32>
      %swap3A_312 = arith.constant 144 : index
      %swap3A_313 = tpu.vector_load %arg5[%swap3A_312] {strides = array<i32>} : memref<256xi32, #tpu.memory_space<vmem>>, vector<16xi32>,
      tpu.vector_store %arg5[%swap3A_312], %broadcast_in_dim3A_311 {strides = array<i32>} : memref<256xi32, #tpu.memory_space<vmem>>, vector<16xi32>,
      %broadcast_in_dim3A_314 = arith.constant 0 : i32
      %broadcast_in_dim3A_315 = vector.broadcast %broadcast_in_dim3A_314 : i32 to vector<16xi32>
      %swap3A_316 = arith.constant 160 : index
      %swap3A_317 = tpu.vector_load %arg5[%swap3A_316] {strides = array<i32>} : memref<256xi32, #tpu.memory_space<vmem>>, vector<16xi32>,
      tpu.vector_store %arg5[%swap3A_316], %broadcast_in_dim3A_315 {strides = array<i32>} : memref<256xi32, #tpu.memory_space<vmem>>, vector<16xi32>,
      %broadcast_in_dim3A_318 = arith.constant 0 : i32
      %broadcast_in_dim3A_319 = vector.broadcast %broadcast_in_dim3A_318 : i32 to vector<16xi32>
      %swap3A_320 = arith.constant 176 : index
      %swap3A_321 = tpu.vector_load %arg5[%swap3A_320] {strides = array<i32>} : memref<256xi32, #tpu.memory_space<vmem>>, vector<16xi32>,
      tpu.vector_store %arg5[%swap3A_320], %broadcast_in_dim3A_319 {strides = array<i32>} : memref<256xi32, #tpu.memory_space<vmem>>, vector<16xi32>,
      %broadcast_in_dim3A_322 = arith.constant 0 : i32
      %broadcast_in_dim3A_323 = vector.broadcast %broadcast_in_dim3A_322 : i32 to vector<16xi32>
      %swap3A_324 = arith.constant 192 : index
      %swap3A_325 = tpu.vector_load %arg5[%swap3A_324] {strides = array<i32>} : memref<256xi32, #tpu.memory_space<vmem>>, vector<16xi32>,
      tpu.vector_store %arg5[%swap3A_324], %broadcast_in_dim3A_323 {strides = array<i32>} : memref<256xi32, #tpu.memory_space<vmem>>, vector<16xi32>,
      %broadcast_in_dim3A_326 = arith.constant 0 : i32
      %broadcast_in_dim3A_327 = vector.broadcast %broadcast_in_dim3A_326 : i32 to vector<16xi32>
      %swap3A_328 = arith.constant 208 : index
      %swap3A_329 = tpu.vector_load %arg5[%swap3A_328] {strides = array<i32>} : memref<256xi32, #tpu.memory_space<vmem>>, vector<16xi32>,
      tpu.vector_store %arg5[%swap3A_328], %broadcast_in_dim3A_327 {strides = array<i32>} : memref<256xi32, #tpu.memory_space<vmem>>, vector<16xi32>,
      %broadcast_in_dim3A_330 = arith.constant 0 : i32
      %broadcast_in_dim3A_331 = vector.broadcast %broadcast_in_dim3A_330 : i32 to vector<16xi32>
      %swap3A_332 = arith.constant 224 : index
      %swap3A_333 = tpu.vector_load %arg5[%swap3A_332] {strides = array<i32>} : memref<256xi32, #tpu.memory_space<vmem>>, vector<16xi32>,
      tpu.vector_store %arg5[%swap3A_332], %broadcast_in_dim3A_331 {strides = array<i32>} : memref<256xi32, #tpu.memory_space<vmem>>, vector<16xi32>,
      %broadcast_in_dim3A_334 = arith.constant 0 : i32
      %broadcast_in_dim3A_335 = vector.broadcast %broadcast_in_dim3A_334 : i32 to vector<16xi32>
      %swap3A_336 = arith.constant 240 : index
      %swap3A_337 = tpu.vector_load %arg5[%swap3A_336] {strides = array<i32>} : memref<256xi32, #tpu.memory_space<vmem>>, vector<16xi32>,
      tpu.vector_store %arg5[%swap3A_336], %broadcast_in_dim3A_335 {strides = array<i32>} : memref<256xi32, #tpu.memory_space<vmem>>, vector<16xi32>,
      %scan3A_338 = arith.constant 0 : i32
      %scan3A_339 = arith.constant 0 : i32
      %scan3A_340 = arith.constant 36 : i32
      %scan3A_341 = arith.addi %scan3A_339, %scan3A_340 : i32
      %scan3A_342 = arith.constant 1 : i32
      scf.for %scan3A_368 = %scan3A_339 to %scan3A_341 step %scan3A_342  : i32 {
        %mul3A_369 = arith.constant 64 : i32
        %mul3A_370 = arith.muli %scan3A_368, %mul3A_369 : i32
        %add3A_371 = arith.constant 0 : i32
        %add3A_372 = arith.addi %mul3A_370, %add3A_371 : i32
        %get3A = arith.index_cast %add3A_372 : i32 to index
        %get3A_373 = tpu.vector_load %arg4[%get3A] {strides = array<i32>} : memref<2304xi32, #tpu.memory_space<vmem>>, vector<16xi32>,
        %shift_right_logical3A = arith.constant 7 : i32
        %shift_right_logical3A_374 = vector.broadcast %shift_right_logical3A : i32 to vector<16xi32>
        %shift_right_logical3A_375 = arith.shrui %get3A_373, %shift_right_logical3A_374 : vector<16xi32>
        %eq3A = vector.broadcast %or3A_272 : i32 to vector<16xi32>
        %eq3A_376 = arith.cmpi eq, %shift_right_logical3A_375, %eq3A : vector<16xi32>
        %shift_right_logical3A_377 = arith.constant 0 : i32
        %shift_right_logical3A_378 = vector.broadcast %shift_right_logical3A_377 : i32 to vector<16xi32>
        %shift_right_logical3A_379 = arith.shrui %get3A_373, %shift_right_logical3A_378 : vector<16xi32>
        %and3A = arith.constant 255 : i32
        %and3A_380 = vector.broadcast %and3A : i32 to vector<16xi32>
        %and3A_381 = arith.andi %shift_right_logical3A_379, %and3A_380 : vector<16xi32>
        %broadcast_in_dim3A_382 = arith.constant 1 : i32
        %broadcast_in_dim3A_383 = vector.broadcast %broadcast_in_dim3A_382 : i32 to vector<16xi32>
        tpu.vector_store_idx %arg5[%and3A_381], %broadcast_in_dim3A_383 masked %eq3A_376 {add = true} : memref<256xi32, #tpu.memory_space<vmem>>[vector<16xi32>], vector<16xi32>, vector<16xi1>
        %add3A_384 = arith.constant 16 : i32
        %add3A_385 = arith.addi %mul3A_370, %add3A_384 : i32
        %get3A_386 = arith.index_cast %add3A_385 : i32 to index
        %get3A_387 = tpu.vector_load %arg4[%get3A_386] {strides = array<i32>} : memref<2304xi32, #tpu.memory_space<vmem>>, vector<16xi32>,
        %shift_right_logical3A_388 = arith.constant 7 : i32
        %shift_right_logical3A_389 = vector.broadcast %shift_right_logical3A_388 : i32 to vector<16xi32>
        %shift_right_logical3A_390 = arith.shrui %get3A_387, %shift_right_logical3A_389 : vector<16xi32>
        %eq3A_391 = vector.broadcast %or3A_272 : i32 to vector<16xi32>
        %eq3A_392 = arith.cmpi eq, %shift_right_logical3A_390, %eq3A_391 : vector<16xi32>
        %shift_right_logical3A_393 = arith.constant 0 : i32
        %shift_right_logical3A_394 = vector.broadcast %shift_right_logical3A_393 : i32 to vector<16xi32>
        %shift_right_logical3A_395 = arith.shrui %get3A_387, %shift_right_logical3A_394 : vector<16xi32>
        %and3A_396 = arith.constant 255 : i32
        %and3A_397 = vector.broadcast %and3A_396 : i32 to vector<16xi32>
        %and3A_398 = arith.andi %shift_right_logical3A_395, %and3A_397 : vector<16xi32>
        %broadcast_in_dim3A_399 = arith.constant 1 : i32
        %broadcast_in_dim3A_400 = vector.broadcast %broadcast_in_dim3A_399 : i32 to vector<16xi32>
        tpu.vector_store_idx %arg5[%and3A_398], %broadcast_in_dim3A_400 masked %eq3A_392 {add = true} : memref<256xi32, #tpu.memory_space<vmem>>[vector<16xi32>], vector<16xi32>, vector<16xi1>
        %add3A_401 = arith.constant 32 : i32
        %add3A_402 = arith.addi %mul3A_370, %add3A_401 : i32
        %get3A_403 = arith.index_cast %add3A_402 : i32 to index
        %get3A_404 = tpu.vector_load %arg4[%get3A_403] {strides = array<i32>} : memref<2304xi32, #tpu.memory_space<vmem>>, vector<16xi32>,
        %shift_right_logical3A_405 = arith.constant 7 : i32
        %shift_right_logical3A_406 = vector.broadcast %shift_right_logical3A_405 : i32 to vector<16xi32>
        %shift_right_logical3A_407 = arith.shrui %get3A_404, %shift_right_logical3A_406 : vector<16xi32>
        %eq3A_408 = vector.broadcast %or3A_272 : i32 to vector<16xi32>
        %eq3A_409 = arith.cmpi eq, %shift_right_logical3A_407, %eq3A_408 : vector<16xi32>
        %shift_right_logical3A_410 = arith.constant 0 : i32
        %shift_right_logical3A_411 = vector.broadcast %shift_right_logical3A_410 : i32 to vector<16xi32>
        %shift_right_logical3A_412 = arith.shrui %get3A_404, %shift_right_logical3A_411 : vector<16xi32>
        %and3A_413 = arith.constant 255 : i32
        %and3A_414 = vector.broadcast %and3A_413 : i32 to vector<16xi32>
        %and3A_415 = arith.andi %shift_right_logical3A_412, %and3A_414 : vector<16xi32>
        %broadcast_in_dim3A_416 = arith.constant 1 : i32
        %broadcast_in_dim3A_417 = vector.broadcast %broadcast_in_dim3A_416 : i32 to vector<16xi32>
        tpu.vector_store_idx %arg5[%and3A_415], %broadcast_in_dim3A_417 masked %eq3A_409 {add = true} : memref<256xi32, #tpu.memory_space<vmem>>[vector<16xi32>], vector<16xi32>, vector<16xi1>
        %add3A_418 = arith.constant 48 : i32
        %add3A_419 = arith.addi %mul3A_370, %add3A_418 : i32
        %get3A_420 = arith.index_cast %add3A_419 : i32 to index
        %get3A_421 = tpu.vector_load %arg4[%get3A_420] {strides = array<i32>} : memref<2304xi32, #tpu.memory_space<vmem>>, vector<16xi32>,
        %shift_right_logical3A_422 = arith.constant 7 : i32
        %shift_right_logical3A_423 = vector.broadcast %shift_right_logical3A_422 : i32 to vector<16xi32>
        %shift_right_logical3A_424 = arith.shrui %get3A_421, %shift_right_logical3A_423 : vector<16xi32>
        %eq3A_425 = vector.broadcast %or3A_272 : i32 to vector<16xi32>
        %eq3A_426 = arith.cmpi eq, %shift_right_logical3A_424, %eq3A_425 : vector<16xi32>
        %shift_right_logical3A_427 = arith.constant 0 : i32
        %shift_right_logical3A_428 = vector.broadcast %shift_right_logical3A_427 : i32 to vector<16xi32>
        %shift_right_logical3A_429 = arith.shrui %get3A_421, %shift_right_logical3A_428 : vector<16xi32>
        %and3A_430 = arith.constant 255 : i32
        %and3A_431 = vector.broadcast %and3A_430 : i32 to vector<16xi32>
        %and3A_432 = arith.andi %shift_right_logical3A_429, %and3A_431 : vector<16xi32>
        %broadcast_in_dim3A_433 = arith.constant 1 : i32
        %broadcast_in_dim3A_434 = vector.broadcast %broadcast_in_dim3A_433 : i32 to vector<16xi32>
        tpu.vector_store_idx %arg5[%and3A_432], %broadcast_in_dim3A_434 masked %eq3A_426 {add = true} : memref<256xi32, #tpu.memory_space<vmem>>[vector<16xi32>], vector<16xi32>, vector<16xi1>
      }
      %scan3A_343 = arith.constant 36 : i32
      %scan3A_344 = arith.constant 0 : i32
      %scan3A_345 = arith.constant 0 : i32
      %scan3A_346 = arith.constant 0 : i32
      %scan3A_347 = arith.constant 16 : i32
      %scan3A_348 = arith.addi %scan3A_346, %scan3A_347 : i32
      %scan3A_349 = arith.constant 1 : i32
      %scan3A_350:2 = scf.for %scan3A_368 = %scan3A_346 to %scan3A_348 step %scan3A_349 iter_args(%scan3A_369 = %scan3A_344, %scan3A_370 = %scan3A_345) -> (i32, i32)  : i32 {
        %sub3A_371 = arith.constant 15 : i32
        %sub3A_372 = arith.subi %sub3A_371, %scan3A_368 : i32
        %mul3A_373 = arith.constant 16 : i32
        %mul3A_374 = arith.muli %sub3A_372, %mul3A_373 : i32
        %get3A = arith.index_cast %mul3A_374 : i32 to index
        %get3A_375 = tpu.vector_load %arg5[%get3A] {strides = array<i32>} : memref<256xi32, #tpu.memory_space<vmem>>, vector<16xi32>,
        %rev3A = arith.constant 15 : i32
        %rev3A_376 = vector.broadcast %rev3A : i32 to vector<16xi32>
        %rev3A_377 = tpu.iota {dimensions = array<i32: 0>} : vector<16xi32>
        %rev3A_378 = arith.subi %rev3A_376, %rev3A_377 : vector<16xi32>
        %rev3A_379 = tpu.dynamic_gather %get3A_375[%rev3A_378] in [0] : vector<16xi32>, vector<16xi32> -> vector<16xi32>
        %cumsum3A = arith.constant true
        %cumsum3A_380 = vector.broadcast %cumsum3A : i1 to vector<16xi1>
        %cumsum3A_381 = tpu.scan <sum>, %rev3A_379 masked %cumsum3A_380 : vector<16xi32>, vector<16xi1> -> vector<16xi32>
        %add3A_382 = vector.broadcast %scan3A_369 : i32 to vector<16xi32>
        %add3A_383 = arith.addi %add3A_382, %cumsum3A_381 : vector<16xi32>
        %ge3A = vector.broadcast %sub3A_273 : i32 to vector<16xi32>
        %ge3A_384 = arith.cmpi sge, %add3A_383, %ge3A : vector<16xi32>
        %convert_element_type3A_385 = arith.extui %ge3A_384 : vector<16xi1> to vector<16xi32>
        %reduce_sum3A = arith.constant true
        %reduce_sum3A_386 = vector.broadcast %reduce_sum3A : i1 to vector<16xi1>
        %reduce_sum3A_387 = tpu.scan <sum>, %convert_element_type3A_385 masked %reduce_sum3A_386 : vector<16xi32>, vector<16xi1> -> vector<16xi32>
        %reduce_sum3A_388 = vector.extract %reduce_sum3A_387[15] : i32 from vector<16xi32>
        %add3A_389 = arith.addi %scan3A_370, %reduce_sum3A_388 : i32
        %reduce_sum3A_390 = arith.constant true
        %reduce_sum3A_391 = vector.broadcast %reduce_sum3A_390 : i1 to vector<16xi1>
        %reduce_sum3A_392 = tpu.scan <sum>, %get3A_375 masked %reduce_sum3A_391 : vector<16xi32>, vector<16xi1> -> vector<16xi32>
        %reduce_sum3A_393 = vector.extract %reduce_sum3A_392[15] : i32 from vector<16xi32>
        %add3A_394 = arith.addi %scan3A_369, %reduce_sum3A_393 : i32
        scf.yield %add3A_394, %add3A_389 : i32, i32
      }
      %scan3A_351 = arith.constant 16 : i32
      %sub3A_352 = arith.constant 1 : i32
      %sub3A_353 = arith.subi %scan3A_350#1, %sub3A_352 : i32
      %scan3A_354 = arith.constant 0 : i32
      %scan3A_355 = arith.constant 0 : i32
      %scan3A_356 = arith.constant 16 : i32
      %scan3A_357 = arith.addi %scan3A_355, %scan3A_356 : i32
      %scan3A_358 = arith.constant 1 : i32
      %scan3A_359 = scf.for %scan3A_368 = %scan3A_355 to %scan3A_357 step %scan3A_358 iter_args(%scan3A_369 = %scan3A_354) -> (i32)  : i32 {
        %mul3A_370 = arith.constant 16 : i32
        %mul3A_371 = arith.muli %scan3A_368, %mul3A_370 : i32
        %get3A = arith.index_cast %mul3A_371 : i32 to index
        %get3A_372 = tpu.vector_load %arg5[%get3A] {strides = array<i32>} : memref<256xi32, #tpu.memory_space<vmem>>, vector<16xi32>,
        %mul3A_373 = arith.constant 16 : i32
        %mul3A_374 = arith.muli %scan3A_368, %mul3A_373 : i32
        %iota3A = tpu.iota {dimensions = array<i32: 0>} : vector<16xi32>
        %add3A_375 = vector.broadcast %mul3A_374 : i32 to vector<16xi32>
        %add3A_376 = arith.addi %add3A_375, %iota3A : vector<16xi32>
        %gt3A = vector.broadcast %sub3A_353 : i32 to vector<16xi32>
        %gt3A_377 = arith.cmpi sgt, %add3A_376, %gt3A : vector<16xi32>
        %jit3A = arith.constant 0 : i32
        %broadcast_in_dim3A_378 = vector.broadcast %jit3A : i32 to vector<16xi32>
        %select_n3A = arith.select %gt3A_377, %get3A_372, %broadcast_in_dim3A_378 : vector<16xi1>, vector<16xi32>
        %reduce_sum3A = arith.constant true
        %reduce_sum3A_379 = vector.broadcast %reduce_sum3A : i1 to vector<16xi1>
        %reduce_sum3A_380 = tpu.scan <sum>, %select_n3A masked %reduce_sum3A_379 : vector<16xi32>, vector<16xi1> -> vector<16xi32>
        %reduce_sum3A_381 = vector.extract %reduce_sum3A_380[15] : i32 from vector<16xi32>
        %add3A_382 = arith.addi %scan3A_369, %reduce_sum3A_381 : i32
        scf.yield %add3A_382 : i32
      }
      %scan3A_360 = arith.constant 16 : i32
      %shift_left3A_361 = arith.constant 7 : i32
      %shift_left3A_362 = arith.shli %or3A_272, %shift_left3A_361 : i32
      %or3A_363 = arith.ori %shift_left3A_362, %sub3A_353 : i32
      %sub3A_364 = arith.subi %sub3A_273, %scan3A_359 : i32
      %broadcast_in_dim3A_365 = vector.broadcast %or3A_363 : i32 to vector<16xi32>
      %swap3A_366 = arith.constant 0 : index
      %swap3A_367 = tpu.vector_load %arg6[%swap3A_366] {strides = array<i32>} : memref<16xi32, #tpu.memory_space<vmem>>, vector<16xi32>,
      tpu.vector_store %arg6[%swap3A_366], %broadcast_in_dim3A_365 {strides = array<i32>} : memref<16xi32, #tpu.memory_space<vmem>>, vector<16xi32>,
      "tpu.region"() ({
        %run_scoped3A = tpu.sem_alloc : memref<!tpu.dma_semaphore, #tpu.memory_space<semaphore_mem>>
        %dma_start3A = arith.constant 0 : i32
        %dma_start3A_368 = tpu.memref_slice %arg3[%add3A, %dma_start3A] : memref<16x16xi32, #tpu.memory_space<hbm>> -> memref<1x16xi32, #tpu.memory_space<hbm>>
        %dma_start3A_369 = tpu.memref_squeeze %dma_start3A_368 : memref<1x16xi32, #tpu.memory_space<hbm>> -> memref<16xi32, #tpu.memory_space<hbm>>
        %dma_start3A_370 = arith.constant 0 : i32
        %dma_start3A_371 = tpu.memref_slice %arg3[%add3A, %dma_start3A_370] : memref<16x16xi32, #tpu.memory_space<hbm>> -> memref<1x16xi32, #tpu.memory_space<hbm>>
        %dma_start3A_372 = tpu.memref_squeeze %dma_start3A_371 : memref<1x16xi32, #tpu.memory_space<hbm>> -> memref<16xi32, #tpu.memory_space<hbm>>
        tpu.enqueue_dma source(%arg6 : memref<16xi32, #tpu.memory_space<vmem>>) target(%dma_start3A_372 : memref<16xi32, #tpu.memory_space<hbm>>) target_semaphore(%run_scoped3A : memref<!tpu.dma_semaphore, #tpu.memory_space<semaphore_mem>>)
        %dma_wait3A = arith.constant 0 : i32
        %dma_wait3A_373 = tpu.memref_slice %arg3[%add3A, %dma_wait3A] : memref<16x16xi32, #tpu.memory_space<hbm>> -> memref<1x16xi32, #tpu.memory_space<hbm>>
        %dma_wait3A_374 = tpu.memref_squeeze %dma_wait3A_373 : memref<1x16xi32, #tpu.memory_space<hbm>> -> memref<16xi32, #tpu.memory_space<hbm>>
        %dma_wait3A_375 = arith.constant 0 : i32
        %dma_wait3A_376 = tpu.memref_slice %arg3[%add3A, %dma_wait3A_375] : memref<16x16xi32, #tpu.memory_space<hbm>> -> memref<1x16xi32, #tpu.memory_space<hbm>>
        %dma_wait3A_377 = tpu.memref_squeeze %dma_wait3A_376 : memref<1x16xi32, #tpu.memory_space<hbm>> -> memref<16xi32, #tpu.memory_space<hbm>>
        tpu.wait_dma2 semaphore(%run_scoped3A : memref<!tpu.dma_semaphore, #tpu.memory_space<semaphore_mem>>) src(%arg6 : memref<16xi32, #tpu.memory_space<vmem>>) dst(%dma_wait3A_377 : memref<16xi32, #tpu.memory_space<hbm>>)
        tpu.yield
      }) : () -> ()
    } else {
    }
    return
  }
}

module attributes {stable_mosaic.version = 14 : i64} {
  func.func @_mask_conv_kernel(%arg0: memref<9xf32, #tpu.memory_space<smem>>, %arg1: memref<1xf32, #tpu.memory_space<smem>>, %arg2: memref<16x48x48xf32, #tpu.memory_space<vmem>>, %arg3: memref<16x48x48xi32, #tpu.memory_space<vmem>>, %arg4: memref<16x16xi32, #tpu.memory_space<vmem>>, %arg5: memref<16x46x46xf32, #tpu.memory_space<vmem>>) attributes {dimension_semantics = [], scalar_prefetch = 0 : i64, scratch_operands = 0 : i64, tpu.core_type = #tpu.core_type<tc>} {
    %get3A = arith.constant 0 : index
    %get3A_0 = arith.constant 0 : index
    %get3A_1 = arith.constant 0 : index
    %get3A_2 = vector.load %arg2[%get3A, %get3A_0, %get3A_1] : memref<16x48x48xf32, #tpu.memory_space<vmem>>, vector<16x48x48xf32>
    %get3A_3 = arith.constant 0 : index
    %get3A_4 = arith.constant 0 : index
    %get3A_5 = arith.constant 0 : index
    %get3A_6 = vector.load %arg3[%get3A_3, %get3A_4, %get3A_5] : memref<16x48x48xi32, #tpu.memory_space<vmem>>, vector<16x48x48xi32>
    %get3A_7 = arith.constant 0 : index
    %get3A_8 = arith.constant 0 : index
    %get3A_9 = vector.load %arg4[%get3A_7, %get3A_8] : memref<16x16xi32, #tpu.memory_space<vmem>>, vector<16x16xi32>
    %slice3A = vector.extract_strided_slice %get3A_9 {offsets = [0, 0], sizes = [16, 1], strides = [1, 1]} : vector<16x16xi32> to vector<16x1xi32>
    %reshape3A = vector.shape_cast %slice3A : vector<16x1xi32> to vector<16x1x1xi32>
    %get3A_10 = arith.constant 0 : index
    %get3A_11 = memref.load %arg0[%get3A_10] : memref<9xf32, #tpu.memory_space<smem>>
    %bitcast_convert_type3A = arith.bitcast %get3A_11 : f32 to i32
    %shift_right_logical3A = arith.constant 16 : i32
    %shift_right_logical3A_12 = arith.shrui %bitcast_convert_type3A, %shift_right_logical3A : i32
    %and3A = arith.constant 1 : i32
    %and3A_13 = arith.andi %shift_right_logical3A_12, %and3A : i32
    %add3A = arith.constant 32767 : i32
    %add3A_14 = arith.addi %bitcast_convert_type3A, %add3A : i32
    %add3A_15 = arith.addi %add3A_14, %and3A_13 : i32
    %and3A_16 = arith.constant -65536 : i32
    %and3A_17 = arith.andi %add3A_15, %and3A_16 : i32
    %bitcast_convert_type3A_18 = arith.bitcast %and3A_17 : i32 to f32
    %get3A_19 = arith.constant 1 : index
    %get3A_20 = memref.load %arg0[%get3A_19] : memref<9xf32, #tpu.memory_space<smem>>
    %bitcast_convert_type3A_21 = arith.bitcast %get3A_20 : f32 to i32
    %shift_right_logical3A_22 = arith.constant 16 : i32
    %shift_right_logical3A_23 = arith.shrui %bitcast_convert_type3A_21, %shift_right_logical3A_22 : i32
    %and3A_24 = arith.constant 1 : i32
    %and3A_25 = arith.andi %shift_right_logical3A_23, %and3A_24 : i32
    %add3A_26 = arith.constant 32767 : i32
    %add3A_27 = arith.addi %bitcast_convert_type3A_21, %add3A_26 : i32
    %add3A_28 = arith.addi %add3A_27, %and3A_25 : i32
    %and3A_29 = arith.constant -65536 : i32
    %and3A_30 = arith.andi %add3A_28, %and3A_29 : i32
    %bitcast_convert_type3A_31 = arith.bitcast %and3A_30 : i32 to f32
    %get3A_32 = arith.constant 2 : index
    %get3A_33 = memref.load %arg0[%get3A_32] : memref<9xf32, #tpu.memory_space<smem>>
    %bitcast_convert_type3A_34 = arith.bitcast %get3A_33 : f32 to i32
    %shift_right_logical3A_35 = arith.constant 16 : i32
    %shift_right_logical3A_36 = arith.shrui %bitcast_convert_type3A_34, %shift_right_logical3A_35 : i32
    %and3A_37 = arith.constant 1 : i32
    %and3A_38 = arith.andi %shift_right_logical3A_36, %and3A_37 : i32
    %add3A_39 = arith.constant 32767 : i32
    %add3A_40 = arith.addi %bitcast_convert_type3A_34, %add3A_39 : i32
    %add3A_41 = arith.addi %add3A_40, %and3A_38 : i32
    %and3A_42 = arith.constant -65536 : i32
    %and3A_43 = arith.andi %add3A_41, %and3A_42 : i32
    %bitcast_convert_type3A_44 = arith.bitcast %and3A_43 : i32 to f32
    %get3A_45 = arith.constant 3 : index
    %get3A_46 = memref.load %arg0[%get3A_45] : memref<9xf32, #tpu.memory_space<smem>>
    %bitcast_convert_type3A_47 = arith.bitcast %get3A_46 : f32 to i32
    %shift_right_logical3A_48 = arith.constant 16 : i32
    %shift_right_logical3A_49 = arith.shrui %bitcast_convert_type3A_47, %shift_right_logical3A_48 : i32
    %and3A_50 = arith.constant 1 : i32
    %and3A_51 = arith.andi %shift_right_logical3A_49, %and3A_50 : i32
    %add3A_52 = arith.constant 32767 : i32
    %add3A_53 = arith.addi %bitcast_convert_type3A_47, %add3A_52 : i32
    %add3A_54 = arith.addi %add3A_53, %and3A_51 : i32
    %and3A_55 = arith.constant -65536 : i32
    %and3A_56 = arith.andi %add3A_54, %and3A_55 : i32
    %bitcast_convert_type3A_57 = arith.bitcast %and3A_56 : i32 to f32
    %get3A_58 = arith.constant 4 : index
    %get3A_59 = memref.load %arg0[%get3A_58] : memref<9xf32, #tpu.memory_space<smem>>
    %bitcast_convert_type3A_60 = arith.bitcast %get3A_59 : f32 to i32
    %shift_right_logical3A_61 = arith.constant 16 : i32
    %shift_right_logical3A_62 = arith.shrui %bitcast_convert_type3A_60, %shift_right_logical3A_61 : i32
    %and3A_63 = arith.constant 1 : i32
    %and3A_64 = arith.andi %shift_right_logical3A_62, %and3A_63 : i32
    %add3A_65 = arith.constant 32767 : i32
    %add3A_66 = arith.addi %bitcast_convert_type3A_60, %add3A_65 : i32
    %add3A_67 = arith.addi %add3A_66, %and3A_64 : i32
    %and3A_68 = arith.constant -65536 : i32
    %and3A_69 = arith.andi %add3A_67, %and3A_68 : i32
    %bitcast_convert_type3A_70 = arith.bitcast %and3A_69 : i32 to f32
    %get3A_71 = arith.constant 5 : index
    %get3A_72 = memref.load %arg0[%get3A_71] : memref<9xf32, #tpu.memory_space<smem>>
    %bitcast_convert_type3A_73 = arith.bitcast %get3A_72 : f32 to i32
    %shift_right_logical3A_74 = arith.constant 16 : i32
    %shift_right_logical3A_75 = arith.shrui %bitcast_convert_type3A_73, %shift_right_logical3A_74 : i32
    %and3A_76 = arith.constant 1 : i32
    %and3A_77 = arith.andi %shift_right_logical3A_75, %and3A_76 : i32
    %add3A_78 = arith.constant 32767 : i32
    %add3A_79 = arith.addi %bitcast_convert_type3A_73, %add3A_78 : i32
    %add3A_80 = arith.addi %add3A_79, %and3A_77 : i32
    %and3A_81 = arith.constant -65536 : i32
    %and3A_82 = arith.andi %add3A_80, %and3A_81 : i32
    %bitcast_convert_type3A_83 = arith.bitcast %and3A_82 : i32 to f32
    %get3A_84 = arith.constant 6 : index
    %get3A_85 = memref.load %arg0[%get3A_84] : memref<9xf32, #tpu.memory_space<smem>>
    %bitcast_convert_type3A_86 = arith.bitcast %get3A_85 : f32 to i32
    %shift_right_logical3A_87 = arith.constant 16 : i32
    %shift_right_logical3A_88 = arith.shrui %bitcast_convert_type3A_86, %shift_right_logical3A_87 : i32
    %and3A_89 = arith.constant 1 : i32
    %and3A_90 = arith.andi %shift_right_logical3A_88, %and3A_89 : i32
    %add3A_91 = arith.constant 32767 : i32
    %add3A_92 = arith.addi %bitcast_convert_type3A_86, %add3A_91 : i32
    %add3A_93 = arith.addi %add3A_92, %and3A_90 : i32
    %and3A_94 = arith.constant -65536 : i32
    %and3A_95 = arith.andi %add3A_93, %and3A_94 : i32
    %bitcast_convert_type3A_96 = arith.bitcast %and3A_95 : i32 to f32
    %get3A_97 = arith.constant 7 : index
    %get3A_98 = memref.load %arg0[%get3A_97] : memref<9xf32, #tpu.memory_space<smem>>
    %bitcast_convert_type3A_99 = arith.bitcast %get3A_98 : f32 to i32
    %shift_right_logical3A_100 = arith.constant 16 : i32
    %shift_right_logical3A_101 = arith.shrui %bitcast_convert_type3A_99, %shift_right_logical3A_100 : i32
    %and3A_102 = arith.constant 1 : i32
    %and3A_103 = arith.andi %shift_right_logical3A_101, %and3A_102 : i32
    %add3A_104 = arith.constant 32767 : i32
    %add3A_105 = arith.addi %bitcast_convert_type3A_99, %add3A_104 : i32
    %add3A_106 = arith.addi %add3A_105, %and3A_103 : i32
    %and3A_107 = arith.constant -65536 : i32
    %and3A_108 = arith.andi %add3A_106, %and3A_107 : i32
    %bitcast_convert_type3A_109 = arith.bitcast %and3A_108 : i32 to f32
    %get3A_110 = arith.constant 8 : index
    %get3A_111 = memref.load %arg0[%get3A_110] : memref<9xf32, #tpu.memory_space<smem>>
    %bitcast_convert_type3A_112 = arith.bitcast %get3A_111 : f32 to i32
    %shift_right_logical3A_113 = arith.constant 16 : i32
    %shift_right_logical3A_114 = arith.shrui %bitcast_convert_type3A_112, %shift_right_logical3A_113 : i32
    %and3A_115 = arith.constant 1 : i32
    %and3A_116 = arith.andi %shift_right_logical3A_114, %and3A_115 : i32
    %add3A_117 = arith.constant 32767 : i32
    %add3A_118 = arith.addi %bitcast_convert_type3A_112, %add3A_117 : i32
    %add3A_119 = arith.addi %add3A_118, %and3A_116 : i32
    %and3A_120 = arith.constant -65536 : i32
    %and3A_121 = arith.andi %add3A_119, %and3A_120 : i32
    %bitcast_convert_type3A_122 = arith.bitcast %and3A_121 : i32 to f32
    %bitcast_convert_type3A_123 = tpu.bitcast %get3A_2 : vector<16x48x48xf32> -> vector<16x48x48xi32>
    %shift_right_logical3A_124 = arith.constant 16 : i32
    %shift_right_logical3A_125 = vector.broadcast %shift_right_logical3A_124 : i32 to vector<16x48x48xi32>
    %shift_right_logical3A_126 = arith.shrui %bitcast_convert_type3A_123, %shift_right_logical3A_125 : vector<16x48x48xi32>
    %and3A_127 = arith.constant 1 : i32
    %and3A_128 = vector.broadcast %and3A_127 : i32 to vector<16x48x48xi32>
    %and3A_129 = arith.andi %shift_right_logical3A_126, %and3A_128 : vector<16x48x48xi32>
    %add3A_130 = arith.constant 32767 : i32
    %add3A_131 = vector.broadcast %add3A_130 : i32 to vector<16x48x48xi32>
    %add3A_132 = arith.addi %bitcast_convert_type3A_123, %add3A_131 : vector<16x48x48xi32>
    %add3A_133 = arith.addi %add3A_132, %and3A_129 : vector<16x48x48xi32>
    %and3A_134 = arith.constant -65536 : i32
    %and3A_135 = vector.broadcast %and3A_134 : i32 to vector<16x48x48xi32>
    %and3A_136 = arith.andi %add3A_133, %and3A_135 : vector<16x48x48xi32>
    %bitcast_convert_type3A_137 = tpu.bitcast %and3A_136 : vector<16x48x48xi32> -> vector<16x48x48xf32>
    %iota3A = tpu.iota {dimensions = array<i32: 0>} : vector<48x46xi32>
    %iota3A_138 = tpu.iota {dimensions = array<i32: 1>} : vector<48x46xi32>
    %sub3A = arith.subi %iota3A, %iota3A_138 : vector<48x46xi32>
    %eq3A = arith.constant 0 : i32
    %eq3A_139 = vector.broadcast %eq3A : i32 to vector<48x46xi32>
    %eq3A_140 = arith.cmpi eq, %sub3A, %eq3A_139 : vector<48x46xi32>
    %jit3A = arith.constant 0.000000e+00 : f32
    %broadcast_in_dim3A = vector.broadcast %bitcast_convert_type3A_18 : f32 to vector<48x46xf32>
    %broadcast_in_dim3A_141 = vector.broadcast %jit3A : f32 to vector<48x46xf32>
    %select_n3A = arith.select %eq3A_140, %broadcast_in_dim3A, %broadcast_in_dim3A_141 : vector<48x46xi1>, vector<48x46xf32>
    %eq3A_142 = arith.constant 1 : i32
    %eq3A_143 = vector.broadcast %eq3A_142 : i32 to vector<48x46xi32>
    %eq3A_144 = arith.cmpi eq, %sub3A, %eq3A_143 : vector<48x46xi32>
    %broadcast_in_dim3A_145 = vector.broadcast %bitcast_convert_type3A_31 : f32 to vector<48x46xf32>
    %select_n3A_146 = arith.select %eq3A_144, %broadcast_in_dim3A_145, %select_n3A : vector<48x46xi1>, vector<48x46xf32>
    %eq3A_147 = arith.constant 2 : i32
    %eq3A_148 = vector.broadcast %eq3A_147 : i32 to vector<48x46xi32>
    %eq3A_149 = arith.cmpi eq, %sub3A, %eq3A_148 : vector<48x46xi32>
    %broadcast_in_dim3A_150 = vector.broadcast %bitcast_convert_type3A_44 : f32 to vector<48x46xf32>
    %select_n3A_151 = arith.select %eq3A_149, %broadcast_in_dim3A_150, %select_n3A_146 : vector<48x46xi1>, vector<48x46xf32>
    %eq3A_152 = arith.constant 0 : i32
    %eq3A_153 = vector.broadcast %eq3A_152 : i32 to vector<48x46xi32>
    %eq3A_154 = arith.cmpi eq, %sub3A, %eq3A_153 : vector<48x46xi32>
    %jit3A_155 = arith.constant 0.000000e+00 : f32
    %broadcast_in_dim3A_156 = vector.broadcast %bitcast_convert_type3A_57 : f32 to vector<48x46xf32>
    %broadcast_in_dim3A_157 = vector.broadcast %jit3A_155 : f32 to vector<48x46xf32>
    %select_n3A_158 = arith.select %eq3A_154, %broadcast_in_dim3A_156, %broadcast_in_dim3A_157 : vector<48x46xi1>, vector<48x46xf32>
    %eq3A_159 = arith.constant 1 : i32
    %eq3A_160 = vector.broadcast %eq3A_159 : i32 to vector<48x46xi32>
    %eq3A_161 = arith.cmpi eq, %sub3A, %eq3A_160 : vector<48x46xi32>
    %broadcast_in_dim3A_162 = vector.broadcast %bitcast_convert_type3A_70 : f32 to vector<48x46xf32>
    %select_n3A_163 = arith.select %eq3A_161, %broadcast_in_dim3A_162, %select_n3A_158 : vector<48x46xi1>, vector<48x46xf32>
    %eq3A_164 = arith.constant 2 : i32
    %eq3A_165 = vector.broadcast %eq3A_164 : i32 to vector<48x46xi32>
    %eq3A_166 = arith.cmpi eq, %sub3A, %eq3A_165 : vector<48x46xi32>
    %broadcast_in_dim3A_167 = vector.broadcast %bitcast_convert_type3A_83 : f32 to vector<48x46xf32>
    %select_n3A_168 = arith.select %eq3A_166, %broadcast_in_dim3A_167, %select_n3A_163 : vector<48x46xi1>, vector<48x46xf32>
    %eq3A_169 = arith.constant 0 : i32
    %eq3A_170 = vector.broadcast %eq3A_169 : i32 to vector<48x46xi32>
    %eq3A_171 = arith.cmpi eq, %sub3A, %eq3A_170 : vector<48x46xi32>
    %jit3A_172 = arith.constant 0.000000e+00 : f32
    %broadcast_in_dim3A_173 = vector.broadcast %bitcast_convert_type3A_96 : f32 to vector<48x46xf32>
    %broadcast_in_dim3A_174 = vector.broadcast %jit3A_172 : f32 to vector<48x46xf32>
    %select_n3A_175 = arith.select %eq3A_171, %broadcast_in_dim3A_173, %broadcast_in_dim3A_174 : vector<48x46xi1>, vector<48x46xf32>
    %eq3A_176 = arith.constant 1 : i32
    %eq3A_177 = vector.broadcast %eq3A_176 : i32 to vector<48x46xi32>
    %eq3A_178 = arith.cmpi eq, %sub3A, %eq3A_177 : vector<48x46xi32>
    %broadcast_in_dim3A_179 = vector.broadcast %bitcast_convert_type3A_109 : f32 to vector<48x46xf32>
    %select_n3A_180 = arith.select %eq3A_178, %broadcast_in_dim3A_179, %select_n3A_175 : vector<48x46xi1>, vector<48x46xf32>
    %eq3A_181 = arith.constant 2 : i32
    %eq3A_182 = vector.broadcast %eq3A_181 : i32 to vector<48x46xi32>
    %eq3A_183 = arith.cmpi eq, %sub3A, %eq3A_182 : vector<48x46xi32>
    %broadcast_in_dim3A_184 = vector.broadcast %bitcast_convert_type3A_122 : f32 to vector<48x46xf32>
    %select_n3A_185 = arith.select %eq3A_183, %broadcast_in_dim3A_184, %select_n3A_180 : vector<48x46xi1>, vector<48x46xf32>
    %ge3A = vector.broadcast %reshape3A : vector<16x1x1xi32> to vector<16x48x48xi32>
    %ge3A_186 = arith.cmpi sge, %get3A_6, %ge3A : vector<16x48x48xi32>
    %jit3A_187 = arith.constant 0.000000e+00 : f32
    %broadcast_in_dim3A_188 = vector.broadcast %jit3A_187 : f32 to vector<16x48x48xf32>
    %select_n3A_189 = arith.select %ge3A_186, %broadcast_in_dim3A_188, %bitcast_convert_type3A_137 : vector<16x48x48xi1>, vector<16x48x48xf32>
    %reshape3A_190 = vector.shape_cast %select_n3A_189 : vector<16x48x48xf32> to vector<768x48xf32>
    %dot_general3A = arith.constant dense<0.000000e+00> : vector<768x46xf32>
    %dot_general3A_191 = tpu.matmul %reshape3A_190, %select_n3A_151, %dot_general3A {dimension_numbers = #tpu.dot_dimension_numbers<[1], [0], [0], [1], [0, 0, 1, 1], [], []>, transpose_lhs_hint = false} : vector<768x48xf32>, vector<48x46xf32>, vector<768x46xf32> -> vector<768x46xf32>
    %reshape3A_192 = vector.shape_cast %dot_general3A_191 : vector<768x46xf32> to vector<16x48x46xf32>
    %dot_general3A_193 = arith.constant dense<0.000000e+00> : vector<768x46xf32>
    %dot_general3A_194 = tpu.matmul %reshape3A_190, %select_n3A_168, %dot_general3A_193 {dimension_numbers = #tpu.dot_dimension_numbers<[1], [0], [0], [1], [0, 0, 1, 1], [], []>, transpose_lhs_hint = false} : vector<768x48xf32>, vector<48x46xf32>, vector<768x46xf32> -> vector<768x46xf32>
    %reshape3A_195 = vector.shape_cast %dot_general3A_194 : vector<768x46xf32> to vector<16x48x46xf32>
    %dot_general3A_196 = arith.constant dense<0.000000e+00> : vector<768x46xf32>
    %dot_general3A_197 = tpu.matmul %reshape3A_190, %select_n3A_185, %dot_general3A_196 {dimension_numbers = #tpu.dot_dimension_numbers<[1], [0], [0], [1], [0, 0, 1, 1], [], []>, transpose_lhs_hint = false} : vector<768x48xf32>, vector<48x46xf32>, vector<768x46xf32> -> vector<768x46xf32>
    %reshape3A_198 = vector.shape_cast %dot_general3A_197 : vector<768x46xf32> to vector<16x48x46xf32>
    %slice3A_199 = vector.extract_strided_slice %reshape3A_192 {offsets = [0, 0, 0], sizes = [16, 46, 46], strides = [1, 1, 1]} : vector<16x48x46xf32> to vector<16x46x46xf32>
    %slice3A_200 = vector.extract_strided_slice %reshape3A_195 {offsets = [0, 1, 0], sizes = [16, 46, 46], strides = [1, 1, 1]} : vector<16x48x46xf32> to vector<16x46x46xf32>
    %add3A_201 = arith.addf %slice3A_199, %slice3A_200 : vector<16x46x46xf32>
    %slice3A_202 = vector.extract_strided_slice %reshape3A_198 {offsets = [0, 2, 0], sizes = [16, 46, 46], strides = [1, 1, 1]} : vector<16x48x46xf32> to vector<16x46x46xf32>
    %add3A_203 = arith.addf %add3A_201, %slice3A_202 : vector<16x46x46xf32>
    %get3A_204 = arith.constant 0 : index
    %get3A_205 = memref.load %arg1[%get3A_204] : memref<1xf32, #tpu.memory_space<smem>>
    %add3A_206 = vector.broadcast %get3A_205 : f32 to vector<16x46x46xf32>
    %add3A_207 = arith.addf %add3A_203, %add3A_206 : vector<16x46x46xf32>
    %swap3A = arith.constant 0 : index
    %swap3A_208 = arith.constant 0 : index
    %swap3A_209 = arith.constant 0 : index
    %swap3A_210 = vector.load %arg5[%swap3A, %swap3A_208, %swap3A_209] : memref<16x46x46xf32, #tpu.memory_space<vmem>>, vector<16x46x46xf32>
    tpu.vector_store %arg5[%swap3A, %swap3A_208, %swap3A_209], %add3A_207 {strides = array<i32>} : memref<16x46x46xf32, #tpu.memory_space<vmem>>, vector<16x46x46xf32>,
    return
  }
}

module attributes {stable_mosaic.version = 14 : i64} {
  func.func @_residual_kernel(%arg0: memref<9xf32, #tpu.memory_space<smem>>, %arg1: memref<16x48x48xf32, #tpu.memory_space<vmem>>, %arg2: memref<16x48x48xi32, #tpu.memory_space<vmem>>) attributes {dimension_semantics = [], scalar_prefetch = 0 : i64, scratch_operands = 0 : i64, tpu.core_type = #tpu.core_type<tc>} {
    %get3A = arith.constant 0 : index
    %get3A_0 = arith.constant 0 : index
    %get3A_1 = arith.constant 0 : index
    %get3A_2 = vector.load %arg1[%get3A, %get3A_0, %get3A_1] : memref<16x48x48xf32, #tpu.memory_space<vmem>>, vector<16x48x48xf32>
    %get3A_3 = arith.constant 0 : index
    %get3A_4 = memref.load %arg0[%get3A_3] : memref<9xf32, #tpu.memory_space<smem>>
    %get3A_5 = arith.constant 1 : index
    %get3A_6 = memref.load %arg0[%get3A_5] : memref<9xf32, #tpu.memory_space<smem>>
    %get3A_7 = arith.constant 2 : index
    %get3A_8 = memref.load %arg0[%get3A_7] : memref<9xf32, #tpu.memory_space<smem>>
    %get3A_9 = arith.constant 3 : index
    %get3A_10 = memref.load %arg0[%get3A_9] : memref<9xf32, #tpu.memory_space<smem>>
    %get3A_11 = arith.constant 4 : index
    %get3A_12 = memref.load %arg0[%get3A_11] : memref<9xf32, #tpu.memory_space<smem>>
    %get3A_13 = arith.constant 5 : index
    %get3A_14 = memref.load %arg0[%get3A_13] : memref<9xf32, #tpu.memory_space<smem>>
    %get3A_15 = arith.constant 6 : index
    %get3A_16 = memref.load %arg0[%get3A_15] : memref<9xf32, #tpu.memory_space<smem>>
    %get3A_17 = arith.constant 7 : index
    %get3A_18 = memref.load %arg0[%get3A_17] : memref<9xf32, #tpu.memory_space<smem>>
    %get3A_19 = arith.constant 8 : index
    %get3A_20 = memref.load %arg0[%get3A_19] : memref<9xf32, #tpu.memory_space<smem>>
    %get3A_21 = arith.constant 0 : index
    %get3A_22 = memref.load %arg0[%get3A_21] : memref<9xf32, #tpu.memory_space<smem>>
    %bitcast_convert_type3A = arith.bitcast %get3A_22 : f32 to i32
    %shift_right_logical3A = arith.constant 16 : i32
    %shift_right_logical3A_23 = arith.shrui %bitcast_convert_type3A, %shift_right_logical3A : i32
    %and3A = arith.constant 1 : i32
    %and3A_24 = arith.andi %shift_right_logical3A_23, %and3A : i32
    %add3A = arith.constant 32767 : i32
    %add3A_25 = arith.addi %bitcast_convert_type3A, %add3A : i32
    %add3A_26 = arith.addi %add3A_25, %and3A_24 : i32
    %and3A_27 = arith.constant -65536 : i32
    %and3A_28 = arith.andi %add3A_26, %and3A_27 : i32
    %bitcast_convert_type3A_29 = arith.bitcast %and3A_28 : i32 to f32
    %get3A_30 = arith.constant 1 : index
    %get3A_31 = memref.load %arg0[%get3A_30] : memref<9xf32, #tpu.memory_space<smem>>
    %bitcast_convert_type3A_32 = arith.bitcast %get3A_31 : f32 to i32
    %shift_right_logical3A_33 = arith.constant 16 : i32
    %shift_right_logical3A_34 = arith.shrui %bitcast_convert_type3A_32, %shift_right_logical3A_33 : i32
    %and3A_35 = arith.constant 1 : i32
    %and3A_36 = arith.andi %shift_right_logical3A_34, %and3A_35 : i32
    %add3A_37 = arith.constant 32767 : i32
    %add3A_38 = arith.addi %bitcast_convert_type3A_32, %add3A_37 : i32
    %add3A_39 = arith.addi %add3A_38, %and3A_36 : i32
    %and3A_40 = arith.constant -65536 : i32
    %and3A_41 = arith.andi %add3A_39, %and3A_40 : i32
    %bitcast_convert_type3A_42 = arith.bitcast %and3A_41 : i32 to f32
    %get3A_43 = arith.constant 2 : index
    %get3A_44 = memref.load %arg0[%get3A_43] : memref<9xf32, #tpu.memory_space<smem>>
    %bitcast_convert_type3A_45 = arith.bitcast %get3A_44 : f32 to i32
    %shift_right_logical3A_46 = arith.constant 16 : i32
    %shift_right_logical3A_47 = arith.shrui %bitcast_convert_type3A_45, %shift_right_logical3A_46 : i32
    %and3A_48 = arith.constant 1 : i32
    %and3A_49 = arith.andi %shift_right_logical3A_47, %and3A_48 : i32
    %add3A_50 = arith.constant 32767 : i32
    %add3A_51 = arith.addi %bitcast_convert_type3A_45, %add3A_50 : i32
    %add3A_52 = arith.addi %add3A_51, %and3A_49 : i32
    %and3A_53 = arith.constant -65536 : i32
    %and3A_54 = arith.andi %add3A_52, %and3A_53 : i32
    %bitcast_convert_type3A_55 = arith.bitcast %and3A_54 : i32 to f32
    %get3A_56 = arith.constant 3 : index
    %get3A_57 = memref.load %arg0[%get3A_56] : memref<9xf32, #tpu.memory_space<smem>>
    %bitcast_convert_type3A_58 = arith.bitcast %get3A_57 : f32 to i32
    %shift_right_logical3A_59 = arith.constant 16 : i32
    %shift_right_logical3A_60 = arith.shrui %bitcast_convert_type3A_58, %shift_right_logical3A_59 : i32
    %and3A_61 = arith.constant 1 : i32
    %and3A_62 = arith.andi %shift_right_logical3A_60, %and3A_61 : i32
    %add3A_63 = arith.constant 32767 : i32
    %add3A_64 = arith.addi %bitcast_convert_type3A_58, %add3A_63 : i32
    %add3A_65 = arith.addi %add3A_64, %and3A_62 : i32
    %and3A_66 = arith.constant -65536 : i32
    %and3A_67 = arith.andi %add3A_65, %and3A_66 : i32
    %bitcast_convert_type3A_68 = arith.bitcast %and3A_67 : i32 to f32
    %get3A_69 = arith.constant 4 : index
    %get3A_70 = memref.load %arg0[%get3A_69] : memref<9xf32, #tpu.memory_space<smem>>
    %bitcast_convert_type3A_71 = arith.bitcast %get3A_70 : f32 to i32
    %shift_right_logical3A_72 = arith.constant 16 : i32
    %shift_right_logical3A_73 = arith.shrui %bitcast_convert_type3A_71, %shift_right_logical3A_72 : i32
    %and3A_74 = arith.constant 1 : i32
    %and3A_75 = arith.andi %shift_right_logical3A_73, %and3A_74 : i32
    %add3A_76 = arith.constant 32767 : i32
    %add3A_77 = arith.addi %bitcast_convert_type3A_71, %add3A_76 : i32
    %add3A_78 = arith.addi %add3A_77, %and3A_75 : i32
    %and3A_79 = arith.constant -65536 : i32
    %and3A_80 = arith.andi %add3A_78, %and3A_79 : i32
    %bitcast_convert_type3A_81 = arith.bitcast %and3A_80 : i32 to f32
    %get3A_82 = arith.constant 5 : index
    %get3A_83 = memref.load %arg0[%get3A_82] : memref<9xf32, #tpu.memory_space<smem>>
    %bitcast_convert_type3A_84 = arith.bitcast %get3A_83 : f32 to i32
    %shift_right_logical3A_85 = arith.constant 16 : i32
    %shift_right_logical3A_86 = arith.shrui %bitcast_convert_type3A_84, %shift_right_logical3A_85 : i32
    %and3A_87 = arith.constant 1 : i32
    %and3A_88 = arith.andi %shift_right_logical3A_86, %and3A_87 : i32
    %add3A_89 = arith.constant 32767 : i32
    %add3A_90 = arith.addi %bitcast_convert_type3A_84, %add3A_89 : i32
    %add3A_91 = arith.addi %add3A_90, %and3A_88 : i32
    %and3A_92 = arith.constant -65536 : i32
    %and3A_93 = arith.andi %add3A_91, %and3A_92 : i32
    %bitcast_convert_type3A_94 = arith.bitcast %and3A_93 : i32 to f32
    %get3A_95 = arith.constant 6 : index
    %get3A_96 = memref.load %arg0[%get3A_95] : memref<9xf32, #tpu.memory_space<smem>>
    %bitcast_convert_type3A_97 = arith.bitcast %get3A_96 : f32 to i32
    %shift_right_logical3A_98 = arith.constant 16 : i32
    %shift_right_logical3A_99 = arith.shrui %bitcast_convert_type3A_97, %shift_right_logical3A_98 : i32
    %and3A_100 = arith.constant 1 : i32
    %and3A_101 = arith.andi %shift_right_logical3A_99, %and3A_100 : i32
    %add3A_102 = arith.constant 32767 : i32
    %add3A_103 = arith.addi %bitcast_convert_type3A_97, %add3A_102 : i32
    %add3A_104 = arith.addi %add3A_103, %and3A_101 : i32
    %and3A_105 = arith.constant -65536 : i32
    %and3A_106 = arith.andi %add3A_104, %and3A_105 : i32
    %bitcast_convert_type3A_107 = arith.bitcast %and3A_106 : i32 to f32
    %get3A_108 = arith.constant 7 : index
    %get3A_109 = memref.load %arg0[%get3A_108] : memref<9xf32, #tpu.memory_space<smem>>
    %bitcast_convert_type3A_110 = arith.bitcast %get3A_109 : f32 to i32
    %shift_right_logical3A_111 = arith.constant 16 : i32
    %shift_right_logical3A_112 = arith.shrui %bitcast_convert_type3A_110, %shift_right_logical3A_111 : i32
    %and3A_113 = arith.constant 1 : i32
    %and3A_114 = arith.andi %shift_right_logical3A_112, %and3A_113 : i32
    %add3A_115 = arith.constant 32767 : i32
    %add3A_116 = arith.addi %bitcast_convert_type3A_110, %add3A_115 : i32
    %add3A_117 = arith.addi %add3A_116, %and3A_114 : i32
    %and3A_118 = arith.constant -65536 : i32
    %and3A_119 = arith.andi %add3A_117, %and3A_118 : i32
    %bitcast_convert_type3A_120 = arith.bitcast %and3A_119 : i32 to f32
    %get3A_121 = arith.constant 8 : index
    %get3A_122 = memref.load %arg0[%get3A_121] : memref<9xf32, #tpu.memory_space<smem>>
    %bitcast_convert_type3A_123 = arith.bitcast %get3A_122 : f32 to i32
    %shift_right_logical3A_124 = arith.constant 16 : i32
    %shift_right_logical3A_125 = arith.shrui %bitcast_convert_type3A_123, %shift_right_logical3A_124 : i32
    %and3A_126 = arith.constant 1 : i32
    %and3A_127 = arith.andi %shift_right_logical3A_125, %and3A_126 : i32
    %add3A_128 = arith.constant 32767 : i32
    %add3A_129 = arith.addi %bitcast_convert_type3A_123, %add3A_128 : i32
    %add3A_130 = arith.addi %add3A_129, %and3A_127 : i32
    %and3A_131 = arith.constant -65536 : i32
    %and3A_132 = arith.andi %add3A_130, %and3A_131 : i32
    %bitcast_convert_type3A_133 = arith.bitcast %and3A_132 : i32 to f32
    %bitcast_convert_type3A_134 = tpu.bitcast %get3A_2 : vector<16x48x48xf32> -> vector<16x48x48xi32>
    %shift_right_logical3A_135 = arith.constant 16 : i32
    %shift_right_logical3A_136 = vector.broadcast %shift_right_logical3A_135 : i32 to vector<16x48x48xi32>
    %shift_right_logical3A_137 = arith.shrui %bitcast_convert_type3A_134, %shift_right_logical3A_136 : vector<16x48x48xi32>
    %and3A_138 = arith.constant 1 : i32
    %and3A_139 = vector.broadcast %and3A_138 : i32 to vector<16x48x48xi32>
    %and3A_140 = arith.andi %shift_right_logical3A_137, %and3A_139 : vector<16x48x48xi32>
    %add3A_141 = arith.constant 32767 : i32
    %add3A_142 = vector.broadcast %add3A_141 : i32 to vector<16x48x48xi32>
    %add3A_143 = arith.addi %bitcast_convert_type3A_134, %add3A_142 : vector<16x48x48xi32>
    %add3A_144 = arith.addi %add3A_143, %and3A_140 : vector<16x48x48xi32>
    %and3A_145 = arith.constant -65536 : i32
    %and3A_146 = vector.broadcast %and3A_145 : i32 to vector<16x48x48xi32>
    %and3A_147 = arith.andi %add3A_144, %and3A_146 : vector<16x48x48xi32>
    %bitcast_convert_type3A_148 = tpu.bitcast %and3A_147 : vector<16x48x48xi32> -> vector<16x48x48xf32>
    %iota3A = tpu.iota {dimensions = array<i32: 0>} : vector<48x46xi32>
    %iota3A_149 = tpu.iota {dimensions = array<i32: 1>} : vector<48x46xi32>
    %sub3A = arith.subi %iota3A, %iota3A_149 : vector<48x46xi32>
    %eq3A = arith.constant 0 : i32
    %eq3A_150 = vector.broadcast %eq3A : i32 to vector<48x46xi32>
    %eq3A_151 = arith.cmpi eq, %sub3A, %eq3A_150 : vector<48x46xi32>
    %jit3A = arith.constant 0.000000e+00 : f32
    %broadcast_in_dim3A = vector.broadcast %bitcast_convert_type3A_29 : f32 to vector<48x46xf32>
    %broadcast_in_dim3A_152 = vector.broadcast %jit3A : f32 to vector<48x46xf32>
    %select_n3A = arith.select %eq3A_151, %broadcast_in_dim3A, %broadcast_in_dim3A_152 : vector<48x46xi1>, vector<48x46xf32>
    %eq3A_153 = arith.constant 1 : i32
    %eq3A_154 = vector.broadcast %eq3A_153 : i32 to vector<48x46xi32>
    %eq3A_155 = arith.cmpi eq, %sub3A, %eq3A_154 : vector<48x46xi32>
    %broadcast_in_dim3A_156 = vector.broadcast %bitcast_convert_type3A_42 : f32 to vector<48x46xf32>
    %select_n3A_157 = arith.select %eq3A_155, %broadcast_in_dim3A_156, %select_n3A : vector<48x46xi1>, vector<48x46xf32>
    %eq3A_158 = arith.constant 2 : i32
    %eq3A_159 = vector.broadcast %eq3A_158 : i32 to vector<48x46xi32>
    %eq3A_160 = arith.cmpi eq, %sub3A, %eq3A_159 : vector<48x46xi32>
    %broadcast_in_dim3A_161 = vector.broadcast %bitcast_convert_type3A_55 : f32 to vector<48x46xf32>
    %select_n3A_162 = arith.select %eq3A_160, %broadcast_in_dim3A_161, %select_n3A_157 : vector<48x46xi1>, vector<48x46xf32>
    %eq3A_163 = arith.constant 0 : i32
    %eq3A_164 = vector.broadcast %eq3A_163 : i32 to vector<48x46xi32>
    %eq3A_165 = arith.cmpi eq, %sub3A, %eq3A_164 : vector<48x46xi32>
    %jit3A_166 = arith.constant 0.000000e+00 : f32
    %broadcast_in_dim3A_167 = vector.broadcast %bitcast_convert_type3A_68 : f32 to vector<48x46xf32>
    %broadcast_in_dim3A_168 = vector.broadcast %jit3A_166 : f32 to vector<48x46xf32>
    %select_n3A_169 = arith.select %eq3A_165, %broadcast_in_dim3A_167, %broadcast_in_dim3A_168 : vector<48x46xi1>, vector<48x46xf32>
    %eq3A_170 = arith.constant 1 : i32
    %eq3A_171 = vector.broadcast %eq3A_170 : i32 to vector<48x46xi32>
    %eq3A_172 = arith.cmpi eq, %sub3A, %eq3A_171 : vector<48x46xi32>
    %broadcast_in_dim3A_173 = vector.broadcast %bitcast_convert_type3A_81 : f32 to vector<48x46xf32>
    %select_n3A_174 = arith.select %eq3A_172, %broadcast_in_dim3A_173, %select_n3A_169 : vector<48x46xi1>, vector<48x46xf32>
    %eq3A_175 = arith.constant 2 : i32
    %eq3A_176 = vector.broadcast %eq3A_175 : i32 to vector<48x46xi32>
    %eq3A_177 = arith.cmpi eq, %sub3A, %eq3A_176 : vector<48x46xi32>
    %broadcast_in_dim3A_178 = vector.broadcast %bitcast_convert_type3A_94 : f32 to vector<48x46xf32>
    %select_n3A_179 = arith.select %eq3A_177, %broadcast_in_dim3A_178, %select_n3A_174 : vector<48x46xi1>, vector<48x46xf32>
    %eq3A_180 = arith.constant 0 : i32
    %eq3A_181 = vector.broadcast %eq3A_180 : i32 to vector<48x46xi32>
    %eq3A_182 = arith.cmpi eq, %sub3A, %eq3A_181 : vector<48x46xi32>
    %jit3A_183 = arith.constant 0.000000e+00 : f32
    %broadcast_in_dim3A_184 = vector.broadcast %bitcast_convert_type3A_107 : f32 to vector<48x46xf32>
    %broadcast_in_dim3A_185 = vector.broadcast %jit3A_183 : f32 to vector<48x46xf32>
    %select_n3A_186 = arith.select %eq3A_182, %broadcast_in_dim3A_184, %broadcast_in_dim3A_185 : vector<48x46xi1>, vector<48x46xf32>
    %eq3A_187 = arith.constant 1 : i32
    %eq3A_188 = vector.broadcast %eq3A_187 : i32 to vector<48x46xi32>
    %eq3A_189 = arith.cmpi eq, %sub3A, %eq3A_188 : vector<48x46xi32>
    %broadcast_in_dim3A_190 = vector.broadcast %bitcast_convert_type3A_120 : f32 to vector<48x46xf32>
    %select_n3A_191 = arith.select %eq3A_189, %broadcast_in_dim3A_190, %select_n3A_186 : vector<48x46xi1>, vector<48x46xf32>
    %eq3A_192 = arith.constant 2 : i32
    %eq3A_193 = vector.broadcast %eq3A_192 : i32 to vector<48x46xi32>
    %eq3A_194 = arith.cmpi eq, %sub3A, %eq3A_193 : vector<48x46xi32>
    %broadcast_in_dim3A_195 = vector.broadcast %bitcast_convert_type3A_133 : f32 to vector<48x46xf32>
    %select_n3A_196 = arith.select %eq3A_194, %broadcast_in_dim3A_195, %select_n3A_191 : vector<48x46xi1>, vector<48x46xf32>
    %reshape3A = vector.shape_cast %bitcast_convert_type3A_148 : vector<16x48x48xf32> to vector<768x48xf32>
    %dot_general3A = arith.constant dense<0.000000e+00> : vector<768x46xf32>
    %dot_general3A_197 = tpu.matmul %reshape3A, %select_n3A_162, %dot_general3A {dimension_numbers = #tpu.dot_dimension_numbers<[1], [0], [0], [1], [0, 0, 1, 1], [], []>, transpose_lhs_hint = false} : vector<768x48xf32>, vector<48x46xf32>, vector<768x46xf32> -> vector<768x46xf32>
    %reshape3A_198 = vector.shape_cast %dot_general3A_197 : vector<768x46xf32> to vector<16x48x46xf32>
    %dot_general3A_199 = arith.constant dense<0.000000e+00> : vector<768x46xf32>
    %dot_general3A_200 = tpu.matmul %reshape3A, %select_n3A_179, %dot_general3A_199 {dimension_numbers = #tpu.dot_dimension_numbers<[1], [0], [0], [1], [0, 0, 1, 1], [], []>, transpose_lhs_hint = false} : vector<768x48xf32>, vector<48x46xf32>, vector<768x46xf32> -> vector<768x46xf32>
    %reshape3A_201 = vector.shape_cast %dot_general3A_200 : vector<768x46xf32> to vector<16x48x46xf32>
    %dot_general3A_202 = arith.constant dense<0.000000e+00> : vector<768x46xf32>
    %dot_general3A_203 = tpu.matmul %reshape3A, %select_n3A_196, %dot_general3A_202 {dimension_numbers = #tpu.dot_dimension_numbers<[1], [0], [0], [1], [0, 0, 1, 1], [], []>, transpose_lhs_hint = false} : vector<768x48xf32>, vector<48x46xf32>, vector<768x46xf32> -> vector<768x46xf32>
    %reshape3A_204 = vector.shape_cast %dot_general3A_203 : vector<768x46xf32> to vector<16x48x46xf32>
    %slice3A = vector.extract_strided_slice %reshape3A_198 {offsets = [0, 0, 0], sizes = [16, 46, 46], strides = [1, 1, 1]} : vector<16x48x46xf32> to vector<16x46x46xf32>
    %slice3A_205 = vector.extract_strided_slice %reshape3A_201 {offsets = [0, 1, 0], sizes = [16, 46, 46], strides = [1, 1, 1]} : vector<16x48x46xf32> to vector<16x46x46xf32>
    %add3A_206 = arith.addf %slice3A, %slice3A_205 : vector<16x46x46xf32>
    %slice3A_207 = vector.extract_strided_slice %reshape3A_204 {offsets = [0, 2, 0], sizes = [16, 46, 46], strides = [1, 1, 1]} : vector<16x48x46xf32> to vector<16x46x46xf32>
    %add3A_208 = arith.addf %add3A_206, %slice3A_207 : vector<16x46x46xf32>
    %mul3A = arith.constant 0.111111112 : f32
    %mul3A_209 = vector.broadcast %mul3A : f32 to vector<16x46x46xf32>
    %mul3A_210 = arith.mulf %add3A_208, %mul3A_209 : vector<16x46x46xf32>
    %iota3A_211 = tpu.iota {dimensions = array<i32: 0>} : vector<46x48xi32>
    %iota3A_212 = tpu.iota {dimensions = array<i32: 1>} : vector<46x48xi32>
    %sub3A_213 = arith.subi %iota3A_212, %iota3A_211 : vector<46x48xi32>
    %ge3A = arith.constant 0 : i32
    %ge3A_214 = vector.broadcast %ge3A : i32 to vector<46x48xi32>
    %ge3A_215 = arith.cmpi sge, %sub3A_213, %ge3A_214 : vector<46x48xi32>
    %le3A = arith.constant 2 : i32
    %le3A_216 = vector.broadcast %le3A : i32 to vector<46x48xi32>
    %le3A_217 = arith.cmpi sle, %sub3A_213, %le3A_216 : vector<46x48xi32>
    %and3A_218 = arith.andi %ge3A_215, %le3A_217 : vector<46x48xi1>
    %jit3A_219 = arith.constant 1.000000e+00 : f32
    %jit3A_220 = arith.constant 0.000000e+00 : f32
    %broadcast_in_dim3A_221 = vector.broadcast %jit3A_219 : f32 to vector<46x48xf32>
    %broadcast_in_dim3A_222 = vector.broadcast %jit3A_220 : f32 to vector<46x48xf32>
    %select_n3A_223 = arith.select %and3A_218, %broadcast_in_dim3A_221, %broadcast_in_dim3A_222 : vector<46x48xi1>, vector<46x48xf32>
    %reshape3A_224 = vector.shape_cast %mul3A_210 : vector<16x46x46xf32> to vector<736x46xf32>
    %dot_general3A_225 = arith.constant dense<0.000000e+00> : vector<736x48xf32>
    %dot_general3A_226 = tpu.matmul %reshape3A_224, %select_n3A_223, %dot_general3A_225 {dimension_numbers = #tpu.dot_dimension_numbers<[1], [0], [0], [1], [0, 0, 1, 1], [], []>, precision = #tpu.contract_precision<fp32>, transpose_lhs_hint = false} : vector<736x46xf32>, vector<46x48xf32>, vector<736x48xf32> -> vector<736x48xf32>
    %reshape3A_227 = vector.shape_cast %dot_general3A_226 : vector<736x48xf32> to vector<16x46x48xf32>
    %broadcast_in_dim3A_228 = arith.constant 0.000000e+00 : f32
    %broadcast_in_dim3A_229 = vector.broadcast %broadcast_in_dim3A_228 : f32 to vector<16x2x48xf32>
    %concatenate3A = tpu.concatenate %broadcast_in_dim3A_229, %reshape3A_227, %broadcast_in_dim3A_229 in 1 : vector<16x2x48xf32>, vector<16x46x48xf32>, vector<16x2x48xf32> -> vector<16x50x48xf32>
    %slice3A_230 = vector.extract_strided_slice %concatenate3A {offsets = [0, 0, 0], sizes = [16, 48, 48], strides = [1, 1, 1]} : vector<16x50x48xf32> to vector<16x48x48xf32>
    %slice3A_231 = vector.extract_strided_slice %concatenate3A {offsets = [0, 1, 0], sizes = [16, 48, 48], strides = [1, 1, 1]} : vector<16x50x48xf32> to vector<16x48x48xf32>
    %add3A_232 = arith.addf %slice3A_230, %slice3A_231 : vector<16x48x48xf32>
    %slice3A_233 = vector.extract_strided_slice %concatenate3A {offsets = [0, 2, 0], sizes = [16, 48, 48], strides = [1, 1, 1]} : vector<16x50x48xf32> to vector<16x48x48xf32>
    %add3A_234 = arith.addf %add3A_232, %slice3A_233 : vector<16x48x48xf32>
    %iota3A_235 = tpu.iota {dimensions = array<i32: 0>} : vector<48x48xi32>
    %iota3A_236 = tpu.iota {dimensions = array<i32: 1>} : vector<48x48xi32>
    %broadcast_in_dim3A_237 = arith.constant 0.000000e+00 : f32
    %broadcast_in_dim3A_238 = vector.broadcast %broadcast_in_dim3A_237 : f32 to vector<48x48xf32>
    %ge3A_239 = arith.constant 0 : i32
    %ge3A_240 = vector.broadcast %ge3A_239 : i32 to vector<48x48xi32>
    %ge3A_241 = arith.cmpi sge, %iota3A_235, %ge3A_240 : vector<48x48xi32>
    %le3A_242 = arith.constant 45 : i32
    %le3A_243 = vector.broadcast %le3A_242 : i32 to vector<48x48xi32>
    %le3A_244 = arith.cmpi sle, %iota3A_235, %le3A_243 : vector<48x48xi32>
    %and3A_245 = arith.andi %ge3A_241, %le3A_244 : vector<48x48xi1>
    %ge3A_246 = arith.constant 0 : i32
    %ge3A_247 = vector.broadcast %ge3A_246 : i32 to vector<48x48xi32>
    %ge3A_248 = arith.cmpi sge, %iota3A_236, %ge3A_247 : vector<48x48xi32>
    %le3A_249 = arith.constant 45 : i32
    %le3A_250 = vector.broadcast %le3A_249 : i32 to vector<48x48xi32>
    %le3A_251 = arith.cmpi sle, %iota3A_236, %le3A_250 : vector<48x48xi32>
    %and3A_252 = arith.andi %ge3A_248, %le3A_251 : vector<48x48xi1>
    %and3A_253 = arith.andi %and3A_245, %and3A_252 : vector<48x48xi1>
    %jit3A_254 = arith.constant 0.000000e+00 : f32
    %broadcast_in_dim3A_255 = vector.broadcast %get3A_4 : f32 to vector<48x48xf32>
    %broadcast_in_dim3A_256 = vector.broadcast %jit3A_254 : f32 to vector<48x48xf32>
    %select_n3A_257 = arith.select %and3A_253, %broadcast_in_dim3A_255, %broadcast_in_dim3A_256 : vector<48x48xi1>, vector<48x48xf32>
    %add3A_258 = arith.addf %broadcast_in_dim3A_238, %select_n3A_257 : vector<48x48xf32>
    %ge3A_259 = arith.constant 1 : i32
    %ge3A_260 = vector.broadcast %ge3A_259 : i32 to vector<48x48xi32>
    %ge3A_261 = arith.cmpi sge, %iota3A_236, %ge3A_260 : vector<48x48xi32>
    %le3A_262 = arith.constant 46 : i32
    %le3A_263 = vector.broadcast %le3A_262 : i32 to vector<48x48xi32>
    %le3A_264 = arith.cmpi sle, %iota3A_236, %le3A_263 : vector<48x48xi32>
    %and3A_265 = arith.andi %ge3A_261, %le3A_264 : vector<48x48xi1>
    %and3A_266 = arith.andi %and3A_245, %and3A_265 : vector<48x48xi1>
    %jit3A_267 = arith.constant 0.000000e+00 : f32
    %broadcast_in_dim3A_268 = vector.broadcast %get3A_6 : f32 to vector<48x48xf32>
    %broadcast_in_dim3A_269 = vector.broadcast %jit3A_267 : f32 to vector<48x48xf32>
    %select_n3A_270 = arith.select %and3A_266, %broadcast_in_dim3A_268, %broadcast_in_dim3A_269 : vector<48x48xi1>, vector<48x48xf32>
    %add3A_271 = arith.addf %add3A_258, %select_n3A_270 : vector<48x48xf32>
    %ge3A_272 = arith.constant 2 : i32
    %ge3A_273 = vector.broadcast %ge3A_272 : i32 to vector<48x48xi32>
    %ge3A_274 = arith.cmpi sge, %iota3A_236, %ge3A_273 : vector<48x48xi32>
    %le3A_275 = arith.constant 47 : i32
    %le3A_276 = vector.broadcast %le3A_275 : i32 to vector<48x48xi32>
    %le3A_277 = arith.cmpi sle, %iota3A_236, %le3A_276 : vector<48x48xi32>
    %and3A_278 = arith.andi %ge3A_274, %le3A_277 : vector<48x48xi1>
    %and3A_279 = arith.andi %and3A_245, %and3A_278 : vector<48x48xi1>
    %jit3A_280 = arith.constant 0.000000e+00 : f32
    %broadcast_in_dim3A_281 = vector.broadcast %get3A_8 : f32 to vector<48x48xf32>
    %broadcast_in_dim3A_282 = vector.broadcast %jit3A_280 : f32 to vector<48x48xf32>
    %select_n3A_283 = arith.select %and3A_279, %broadcast_in_dim3A_281, %broadcast_in_dim3A_282 : vector<48x48xi1>, vector<48x48xf32>
    %add3A_284 = arith.addf %add3A_271, %select_n3A_283 : vector<48x48xf32>
    %ge3A_285 = arith.constant 1 : i32
    %ge3A_286 = vector.broadcast %ge3A_285 : i32 to vector<48x48xi32>
    %ge3A_287 = arith.cmpi sge, %iota3A_235, %ge3A_286 : vector<48x48xi32>
    %le3A_288 = arith.constant 46 : i32
    %le3A_289 = vector.broadcast %le3A_288 : i32 to vector<48x48xi32>
    %le3A_290 = arith.cmpi sle, %iota3A_235, %le3A_289 : vector<48x48xi32>
    %and3A_291 = arith.andi %ge3A_287, %le3A_290 : vector<48x48xi1>
    %ge3A_292 = arith.constant 0 : i32
    %ge3A_293 = vector.broadcast %ge3A_292 : i32 to vector<48x48xi32>
    %ge3A_294 = arith.cmpi sge, %iota3A_236, %ge3A_293 : vector<48x48xi32>
    %le3A_295 = arith.constant 45 : i32
    %le3A_296 = vector.broadcast %le3A_295 : i32 to vector<48x48xi32>
    %le3A_297 = arith.cmpi sle, %iota3A_236, %le3A_296 : vector<48x48xi32>
    %and3A_298 = arith.andi %ge3A_294, %le3A_297 : vector<48x48xi1>
    %and3A_299 = arith.andi %and3A_291, %and3A_298 : vector<48x48xi1>
    %jit3A_300 = arith.constant 0.000000e+00 : f32
    %broadcast_in_dim3A_301 = vector.broadcast %get3A_10 : f32 to vector<48x48xf32>
    %broadcast_in_dim3A_302 = vector.broadcast %jit3A_300 : f32 to vector<48x48xf32>
    %select_n3A_303 = arith.select %and3A_299, %broadcast_in_dim3A_301, %broadcast_in_dim3A_302 : vector<48x48xi1>, vector<48x48xf32>
    %add3A_304 = arith.addf %add3A_284, %select_n3A_303 : vector<48x48xf32>
    %ge3A_305 = arith.constant 1 : i32
    %ge3A_306 = vector.broadcast %ge3A_305 : i32 to vector<48x48xi32>
    %ge3A_307 = arith.cmpi sge, %iota3A_236, %ge3A_306 : vector<48x48xi32>
    %le3A_308 = arith.constant 46 : i32
    %le3A_309 = vector.broadcast %le3A_308 : i32 to vector<48x48xi32>
    %le3A_310 = arith.cmpi sle, %iota3A_236, %le3A_309 : vector<48x48xi32>
    %and3A_311 = arith.andi %ge3A_307, %le3A_310 : vector<48x48xi1>
    %and3A_312 = arith.andi %and3A_291, %and3A_311 : vector<48x48xi1>
    %jit3A_313 = arith.constant 0.000000e+00 : f32
    %broadcast_in_dim3A_314 = vector.broadcast %get3A_12 : f32 to vector<48x48xf32>
    %broadcast_in_dim3A_315 = vector.broadcast %jit3A_313 : f32 to vector<48x48xf32>
    %select_n3A_316 = arith.select %and3A_312, %broadcast_in_dim3A_314, %broadcast_in_dim3A_315 : vector<48x48xi1>, vector<48x48xf32>
    %add3A_317 = arith.addf %add3A_304, %select_n3A_316 : vector<48x48xf32>
    %ge3A_318 = arith.constant 2 : i32
    %ge3A_319 = vector.broadcast %ge3A_318 : i32 to vector<48x48xi32>
    %ge3A_320 = arith.cmpi sge, %iota3A_236, %ge3A_319 : vector<48x48xi32>
    %le3A_321 = arith.constant 47 : i32
    %le3A_322 = vector.broadcast %le3A_321 : i32 to vector<48x48xi32>
    %le3A_323 = arith.cmpi sle, %iota3A_236, %le3A_322 : vector<48x48xi32>
    %and3A_324 = arith.andi %ge3A_320, %le3A_323 : vector<48x48xi1>
    %and3A_325 = arith.andi %and3A_291, %and3A_324 : vector<48x48xi1>
    %jit3A_326 = arith.constant 0.000000e+00 : f32
    %broadcast_in_dim3A_327 = vector.broadcast %get3A_14 : f32 to vector<48x48xf32>
    %broadcast_in_dim3A_328 = vector.broadcast %jit3A_326 : f32 to vector<48x48xf32>
    %select_n3A_329 = arith.select %and3A_325, %broadcast_in_dim3A_327, %broadcast_in_dim3A_328 : vector<48x48xi1>, vector<48x48xf32>
    %add3A_330 = arith.addf %add3A_317, %select_n3A_329 : vector<48x48xf32>
    %ge3A_331 = arith.constant 2 : i32
    %ge3A_332 = vector.broadcast %ge3A_331 : i32 to vector<48x48xi32>
    %ge3A_333 = arith.cmpi sge, %iota3A_235, %ge3A_332 : vector<48x48xi32>
    %le3A_334 = arith.constant 47 : i32
    %le3A_335 = vector.broadcast %le3A_334 : i32 to vector<48x48xi32>
    %le3A_336 = arith.cmpi sle, %iota3A_235, %le3A_335 : vector<48x48xi32>
    %and3A_337 = arith.andi %ge3A_333, %le3A_336 : vector<48x48xi1>
    %ge3A_338 = arith.constant 0 : i32
    %ge3A_339 = vector.broadcast %ge3A_338 : i32 to vector<48x48xi32>
    %ge3A_340 = arith.cmpi sge, %iota3A_236, %ge3A_339 : vector<48x48xi32>
    %le3A_341 = arith.constant 45 : i32
    %le3A_342 = vector.broadcast %le3A_341 : i32 to vector<48x48xi32>
    %le3A_343 = arith.cmpi sle, %iota3A_236, %le3A_342 : vector<48x48xi32>
    %and3A_344 = arith.andi %ge3A_340, %le3A_343 : vector<48x48xi1>
    %and3A_345 = arith.andi %and3A_337, %and3A_344 : vector<48x48xi1>
    %jit3A_346 = arith.constant 0.000000e+00 : f32
    %broadcast_in_dim3A_347 = vector.broadcast %get3A_16 : f32 to vector<48x48xf32>
    %broadcast_in_dim3A_348 = vector.broadcast %jit3A_346 : f32 to vector<48x48xf32>
    %select_n3A_349 = arith.select %and3A_345, %broadcast_in_dim3A_347, %broadcast_in_dim3A_348 : vector<48x48xi1>, vector<48x48xf32>
    %add3A_350 = arith.addf %add3A_330, %select_n3A_349 : vector<48x48xf32>
    %ge3A_351 = arith.constant 1 : i32
    %ge3A_352 = vector.broadcast %ge3A_351 : i32 to vector<48x48xi32>
    %ge3A_353 = arith.cmpi sge, %iota3A_236, %ge3A_352 : vector<48x48xi32>
    %le3A_354 = arith.constant 46 : i32
    %le3A_355 = vector.broadcast %le3A_354 : i32 to vector<48x48xi32>
    %le3A_356 = arith.cmpi sle, %iota3A_236, %le3A_355 : vector<48x48xi32>
    %and3A_357 = arith.andi %ge3A_353, %le3A_356 : vector<48x48xi1>
    %and3A_358 = arith.andi %and3A_337, %and3A_357 : vector<48x48xi1>
    %jit3A_359 = arith.constant 0.000000e+00 : f32
    %broadcast_in_dim3A_360 = vector.broadcast %get3A_18 : f32 to vector<48x48xf32>
    %broadcast_in_dim3A_361 = vector.broadcast %jit3A_359 : f32 to vector<48x48xf32>
    %select_n3A_362 = arith.select %and3A_358, %broadcast_in_dim3A_360, %broadcast_in_dim3A_361 : vector<48x48xi1>, vector<48x48xf32>
    %add3A_363 = arith.addf %add3A_350, %select_n3A_362 : vector<48x48xf32>
    %ge3A_364 = arith.constant 2 : i32
    %ge3A_365 = vector.broadcast %ge3A_364 : i32 to vector<48x48xi32>
    %ge3A_366 = arith.cmpi sge, %iota3A_236, %ge3A_365 : vector<48x48xi32>
    %le3A_367 = arith.constant 47 : i32
    %le3A_368 = vector.broadcast %le3A_367 : i32 to vector<48x48xi32>
    %le3A_369 = arith.cmpi sle, %iota3A_236, %le3A_368 : vector<48x48xi32>
    %and3A_370 = arith.andi %ge3A_366, %le3A_369 : vector<48x48xi1>
    %and3A_371 = arith.andi %and3A_337, %and3A_370 : vector<48x48xi1>
    %jit3A_372 = arith.constant 0.000000e+00 : f32
    %broadcast_in_dim3A_373 = vector.broadcast %get3A_20 : f32 to vector<48x48xf32>
    %broadcast_in_dim3A_374 = vector.broadcast %jit3A_372 : f32 to vector<48x48xf32>
    %select_n3A_375 = arith.select %and3A_371, %broadcast_in_dim3A_373, %broadcast_in_dim3A_374 : vector<48x48xi1>, vector<48x48xf32>
    %add3A_376 = arith.addf %add3A_363, %select_n3A_375 : vector<48x48xf32>
    %min3A = arith.constant 2 : i32
    %min3A_377 = vector.broadcast %min3A : i32 to vector<48x48xi32>
    %min3A_378 = arith.minsi %iota3A_235, %min3A_377 : vector<48x48xi32>
    %sub3A_379 = arith.constant 45 : i32
    %sub3A_380 = vector.broadcast %sub3A_379 : i32 to vector<48x48xi32>
    %sub3A_381 = arith.subi %iota3A_235, %sub3A_380 : vector<48x48xi32>
    %max3A = arith.constant 0 : i32
    %max3A_382 = vector.broadcast %max3A : i32 to vector<48x48xi32>
    %max3A_383 = arith.maxsi %sub3A_381, %max3A_382 : vector<48x48xi32>
    %sub3A_384 = arith.subi %min3A_378, %max3A_383 : vector<48x48xi32>
    %add3A_385 = arith.constant 1 : i32
    %add3A_386 = vector.broadcast %add3A_385 : i32 to vector<48x48xi32>
    %add3A_387 = arith.addi %sub3A_384, %add3A_386 : vector<48x48xi32>
    %min3A_388 = arith.constant 2 : i32
    %min3A_389 = vector.broadcast %min3A_388 : i32 to vector<48x48xi32>
    %min3A_390 = arith.minsi %iota3A_236, %min3A_389 : vector<48x48xi32>
    %sub3A_391 = arith.constant 45 : i32
    %sub3A_392 = vector.broadcast %sub3A_391 : i32 to vector<48x48xi32>
    %sub3A_393 = arith.subi %iota3A_236, %sub3A_392 : vector<48x48xi32>
    %max3A_394 = arith.constant 0 : i32
    %max3A_395 = vector.broadcast %max3A_394 : i32 to vector<48x48xi32>
    %max3A_396 = arith.maxsi %sub3A_393, %max3A_395 : vector<48x48xi32>
    %sub3A_397 = arith.subi %min3A_390, %max3A_396 : vector<48x48xi32>
    %add3A_398 = arith.constant 1 : i32
    %add3A_399 = vector.broadcast %add3A_398 : i32 to vector<48x48xi32>
    %add3A_400 = arith.addi %sub3A_397, %add3A_399 : vector<48x48xi32>
    %mul3A_401 = arith.muli %add3A_387, %add3A_400 : vector<48x48xi32>
    %convert_element_type3A = arith.sitofp %mul3A_401 : vector<48x48xi32> to vector<48x48xf32>
    %broadcast_in_dim3A_402 = vector.shape_cast %convert_element_type3A : vector<48x48xf32> to vector<1x48x48xf32>
    %broadcast_in_dim3A_403 = vector.shape_cast %add3A_376 : vector<48x48xf32> to vector<1x48x48xf32>
    %mul3A_404 = vector.broadcast %broadcast_in_dim3A_403 : vector<1x48x48xf32> to vector<16x48x48xf32>
    %mul3A_405 = arith.mulf %get3A_2, %mul3A_404 : vector<16x48x48xf32>
    %sub3A_406 = arith.subf %mul3A_405, %add3A_234 : vector<16x48x48xf32>
    %mul3A_407 = vector.broadcast %broadcast_in_dim3A_402 : vector<1x48x48xf32> to vector<16x48x48xf32>
    %mul3A_408 = arith.mulf %mul3A_407, %sub3A_406 : vector<16x48x48xf32>
    %abs3A = math.absf %mul3A_408 : vector<16x48x48xf32>
    %bitcast_convert_type3A_409 = tpu.bitcast %abs3A : vector<16x48x48xf32> -> vector<16x48x48xi32>
    %swap3A = arith.constant 0 : index
    %swap3A_410 = arith.constant 0 : index
    %swap3A_411 = arith.constant 0 : index
    %swap3A_412 = vector.load %arg2[%swap3A, %swap3A_410, %swap3A_411] : memref<16x48x48xi32, #tpu.memory_space<vmem>>, vector<16x48x48xi32>
    tpu.vector_store %arg2[%swap3A, %swap3A_410, %swap3A_411], %bitcast_convert_type3A_409 {strides = array<i32>} : memref<16x48x48xi32, #tpu.memory_space<vmem>>, vector<16x48x48xi32>,
    return
  }
}

</mosaic_0001>

<sc_bundles>
// kernel: kernel.5.cloned.1.call-start
scs
__scs_entry_jumppad:
0x0: {  	(pc) =	sbr.rel $0x88, $3  }
0x1: {  	(tag) =	ssettag $0x0;
	lr =	simm.s32 $0x1  }
0x2: {  	[smem:$0x3F9E] =	sst lr;
	_ =	strace $0xD0000000  }
0x3: {  	_ = 	snop  }
0x4: {  	_ = 	snop  }
0x5: {  	_ = 	snop  }
0x6: {  	_ = 	snop  }
0x7: {  	_ = 	snop  }
__scs_overlays_trampoline_lowered:
0x8: {  	[smem:$0x3FAD] =	sst s0  }
0x9: {  	[smem:$0x3FAE] =	sst s1  }
0xa: {  	[smem:$0x3FAF] =	sst s2  }
0xb: {  	[smem:$0x3FB0] =	sst s3  }
0xc: {  	[smem:$0x3FB1] =	sst s4  }
0xd: {  	[smem:$0x3FB2] =	sst s5  }
0xe: {  	[smem:$0x3FB3] =	sst s6  }
0xf: {  	[smem:$0x3FB4] =	sst s7  }
0x10: {  	[smem:$0x3FB5] =	sst s8  }
0x11: {  	[smem:$0x3FB6] =	sst s9;
	s0 =	simm.s32 @!p0 $0x0  }
0x12: {  	s1 =	sld [smem:$0x3F9C];
	s0 =	simm.s32 @p0 $0x1  }
0x13: {  	[smem:$0x3FB7] =	sst s0;
	s0 =	simm.s32 @!p1 $0x0  }
0x14: {  	s2 =	sld [smem:$0x3F9B];
	s0 =	simm.s32 @p1 $0x1  }
0x15: {  	[smem:$0x3FB8] =	sst s0;
	s0 =	simm.s32 @!p2 $0x0  }
0x16: {  	s3 =	sld [smem:$0x3FDB];
	s0 =	simm.s32 @p2 $0x1  }
0x17: {  	s4 =	simm.s32 $0x1BF5;
	[smem:$0x3FBA] =	sst s0  }
0x18: {  	s0 =	sld [smem:$0x3F9D];
	_ =	swait.ge [sflag:s4], $0x0  }
0x19: {  	s7 =	sld [smem:$0x3F9E]  }
0x1a: {  	s8 =	sadd.s32 $0xFFFFE003, lr  }
0x1b: {  	s9 =	sadd.s32 $0xFFFFFEF7, lr;
	s5 =	simm.s32 $0xFFFFFFFF;
	p2 =	slt.u32 s8, $0xFFFFF086  }
0x1c: {  	p1 =	slt.u32 s9, $0xF7A;
	s5 =	simm.s32 @!p2 $0x0  }
0x1d: {  	s5 =	simm.s32 @p1 $0x1;
	p0 =	seq.s32 s7, s2  }
0x1e: {  	s7 =	smul.u32 @!p0 $0xF7A, s2;
	p2 =	seq.s32 @!p0 s5, $0x0  }
0x1f: {  	s9 =	smul.u32 $0xF7A, s1;
	s8 =	simm.s32 @!p0 $0x1BF5;
	p2 =	por !p2, p0  }
0x20: {  	[sflag:s8] =	ssyncset.s32 @!p0 $0xFFFFF086;
	s6 =	sadd.s32 @!p0 s3, s7;
	s7 =	simm.s32 @!p0 $0x108  }
0x21: {  	s3 =	sadd.s32 s3, s9;
	s6 =	sadd.s32 @!p0 $0x88, s6;
	s7 =	simm.s32 @p2 $0x1082  }
0x22: {  	[simem:s7], [sflag:s8] =	dma.local @!p0 [hbm:s6], $0xF7A  }
0x23: {  	s9 =	sor.u32 $0xD0000000, s2;
	s6 =	simm.s32 $0x108;
	_ =	swait.ge @!p0 [sflag:s8], $0x0  }
0x24: {  	s3 =	sadd.s32 $0x88, s3;
	s6 =	simm.s32 @!p1 $0x1082;
	[sflag:s4] =	ssyncset.s32 $0xFFFFF086  }
0x25: {  	[simem:s6], [sflag:s4] =	dma.local [hbm:s3], $0xF7A  }
0x26: {  	[smem:$0x3F9E] =	sst s1;
	(tag) =	ssettag s2;
	_ =	strace s9  }
0x27: {  	s1 =	sld [smem:$0x3FAE]  }
0x28: {  	s2 =	sld [smem:$0x3FAF]  }
0x29: {  	s4 =	sld [smem:$0x3FB1]  }
0x2a: {  	p0 =	seq.s32 s5, $0x0;
	s5 =	sld [smem:$0x3FB2]  }
0x2b: {  	s6 =	sld [smem:$0x3FB3]  }
0x2c: {  	s7 =	sld [smem:$0x3FB4]  }
0x2d: {  	s3 =	simm.s32 $0x108;
	s8 =	sld [smem:$0x3FB5]  }
0x2e: {  	s3 =	simm.s32 @!p0 $0x1082;
	s9 =	sld [smem:$0x3FB6]  }
0x2f: {  	lr =	sadd.s32 s0, s3;
	s0 =	sld [smem:$0x3FAD]  }
0x30: {  	s3 =	sld [smem:$0x3FB0]  }
0x31: {  	[smem:$0x3FB9] =	sst s10  }
0x32: {  	s10 =	sld [smem:$0x3FB7];
	_ =	sdelay $0x3  }
0x33: {  	p0 =	seq.s32 s10, $0x1;
	s10 =	sld [smem:$0x3FB9];
	_ =	sdelay $0x3  }
0x34: {  	[smem:$0x3FB9] =	sst s10  }
0x35: {  	s10 =	sld [smem:$0x3FB8];
	_ =	sdelay $0x3  }
0x36: {  	p1 =	seq.s32 s10, $0x1;
	s10 =	sld [smem:$0x3FB9];
	_ =	sdelay $0x3  }
0x37: {  	[smem:$0x3FB9] =	sst s10  }
0x38: {  	s10 =	sld [smem:$0x3FBA]  }
0x39: {  	_ = 	snop;
	(pc) =	sbr.ind lr, $3  }
0x3a: {  	_ = 	snop  }
0x3b: {  	_ = 	snop  }
0x3c: {  	p2 =	seq.s32 s10, $0x1;
	s10 =	sld [smem:$0x3FB9]  }
0x3d: {  	_ =	shalt  }
0x3e: {  	_ =	shalt  }
0x3f: {  	_ =	shalt  }
0x40: {  	_ =	shalt  }
0x41: {  	_ =	shalt  }
0x42: {  	_ =	shalt  }
0x43: {  	_ =	shalt  }
0x44: {  	_ =	shalt  }
0x45: {  	_ =	shalt  }
0x46: {  	_ =	shalt  }
0x47: {  	_ =	shalt  }
0x48: {  	_ =	shalt  }
0x49: {  	_ =	shalt  }
0x4a: {  	_ =	shalt  }
0x4b: {  	_ =	shalt  }
0x4c: {  	_ =	shalt  }
0x4d: {  	_ =	shalt  }
0x4e: {  	_ =	shalt  }
0x4f: {  	_ =	shalt  }
0x50: {  	_ =	shalt  }
0x51: {  	_ =	shalt  }
0x52: {  	_ =	shalt  }
0x53: {  	_ =	shalt  }
0x54: {  	_ =	shalt  }
0x55: {  	_ =	shalt  }
0x56: {  	_ =	shalt  }
0x57: {  	_ =	shalt  }
0x58: {  	_ =	shalt  }
0x59: {  	_ =	shalt  }
0x5a: {  	_ =	shalt  }
0x5b: {  	_ =	shalt  }
0x5c: {  	_ =	shalt  }
0x5d: {  	_ =	shalt  }
0x5e: {  	_ =	shalt  }
0x5f: {  	_ =	shalt  }
0x60: {  	_ =	shalt  }
0x61: {  	_ =	shalt  }
0x62: {  	_ =	shalt  }
0x63: {  	_ =	shalt  }
0x64: {  	_ =	shalt  }
0x65: {  	_ =	shalt  }
0x66: {  	_ =	shalt  }
0x67: {  	_ =	shalt  }
0x68: {  	_ =	shalt  }
0x69: {  	_ =	shalt  }
0x6a: {  	_ =	shalt  }
0x6b: {  	_ =	shalt  }
0x6c: {  	_ =	shalt  }
0x6d: {  	_ =	shalt  }
0x6e: {  	_ =	shalt  }
0x6f: {  	_ =	shalt  }
0x70: {  	_ =	shalt  }
0x71: {  	_ =	shalt  }
0x72: {  	_ =	shalt  }
0x73: {  	_ =	shalt  }
0x74: {  	_ =	shalt  }
0x75: {  	_ =	shalt  }
0x76: {  	_ =	shalt  }
0x77: {  	_ =	shalt  }
0x78: {  	_ =	shalt  }
0x79: {  	_ =	shalt  }
0x7a: {  	_ =	shalt  }
0x7b: {  	_ =	shalt  }
0x7c: {  	_ =	shalt  }
0x7d: {  	_ =	shalt  }
0x7e: {  	_ =	shalt  }
0x7f: {  	_ =	shalt  }
0x80: {  	_ =	shalt  }
0x81: {  	_ =	shalt  }
0x82: {  	_ =	shalt  }
0x83: {  	_ =	shalt  }
0x84: {  	_ =	shalt  }
0x85: {  	_ =	shalt  }
0x86: {  	_ =	shalt  }
0x87: {  	_ =	shalt  }
.Lfunc_end0:
.L_simem_size_0:
called_computation_lowered:
.L_overlay_start_0:
0x88: {  	s2 =	sld [smem:$0x3FD9]  }
0x89: {  	s3 =	sld [smem:$0x3FFE];
	_ =	sdelay $0x1  }
0x8a: {  	s1 =	srdreg.scid  }
0x8b: {  	s0 =	sand.u32 $0x1, s1  }
0x8c: {  	s17 =	sshll.u32 s0, $0xA;
	s2 =	sadd.s32 s3, s2  }
0x8d: {  	s2 =	sadd.s32 s2, s17  }
0x8e: {  	[smem:$0x3FC5] =	sst s2  }
0x8f: {  	_ = 	snop  }
0x90: {  	s2 =	sld [smem:$0x3FD0];
	(tm) =	ssettm $0x1  }
0x91: {  	s18 =	sld [smem:$0x3FFB];
	_ =	sdelay $0x3  }
0x92: {  	_ =	strace s18  }
0x93: {  	s3 =	sld [smem:$0x3FFC];
	_ =	sdelay $0x3  }
0x94: {  	_ =	strace s3  }
0x95: {  	s3 =	sld [smem:$0x3FFD];
	_ =	sdelay $0x3  }
0x96: {  	_ =	strace s3  }
0x97: {  	_ =	strace $0x8FFFFFFF  }
0x98: {  	s19 =	sld [smem:$0x3FDB];
	_ =	sdelay $0x1  }
0x99: {  	s4 =	simm.s32 $_scs_section_size  }
0x9a: {  	s5 =	simm.s32 $_size__tile_overlayer_lowered;
	s6 =	simm.s32 $_tile_overlayer_lowered  }
0x9b: {  	s22 =	simm.s32 $0x1BFF;
	s21 =	sshll.u32 s6, $0x1;
	s3 =	sadd.s32 s4, s19  }
0x9c: {  	s7 =	simm.s32 $0x0;
	s20 =	sshll.u32 s5, $0x1;
	s5 =	sadd.s32 s21, s3  }
0x9d: {  	[timem:s7], [sflag:s22] =	dma.local [hbm:s5], s20  }
0x9e: {  	_ =	swait.ge [sflag:s22], s20  }
0x9f: {  	s4 =	ssub.s32 $0x0, s20;
	[sflag:s22] =	ssyncset.done $0x0  }
0xa0: {  	[sflag:s22] =	ssyncadd.s32 s4;
	_ =	sdelay $0x1  }
0xa1: {  	s23 =	simm.s32 $0x1B8B  }
0xa2: {  	_ =	swait.ge [sflag:s23], $0x1  }
0xa3: {  	[sflag:s23] =	ssyncset.done $0x0  }
0xa4: {  	s25 =	simm.s32 $0x1B8E;
	s24 =	sld [smem:$0x3FFE];
	[sflag:s23] =	ssyncadd.s32 $0xFFFFFFFF  }
0xa5: {  	s26 =	simm.s32 $execute0_lowered;
	[smem:$0x3FD2] =	sst s25  }
0xa6: {  	s5 =	sshll.u32 s26, $0x1;
	_ =	strace $0x80000046;
	[dreg:$0x1] =	wrdreg $0xFFFFFFFF  }
0xa7: {  	s28 =	simm.s32 $_size_execute0_lowered;
	s3 =	sadd.s32 s3, s5;
	[dreg:$0x0] =	wrdreg $0x0  }
0xa8: {  	s5 =	sshll.u32 s28, $0x1;
	[dreg:$0x2] =	wrdreg s3  }
0xa9: {  	[dreg:$0x3] =	wrdreg s5  }
0xaa: {  	[dreg:$0x4] =	wrdreg $0xC0  }
0xab: {  	_ =	task [dreg:s7], $0x5FFFF  }
0xac: {  	[dreg:$0x1] =	wrdreg $0xFFFFFFFF  }
0xad: {  	[dreg:$0x0] =	wrdreg $0x60  }
0xae: {  	[dreg:$0x2] =	wrdreg s2  }
0xaf: {  	[dreg:$0x3] =	wrdreg s24  }
0xb0: {  	[dreg:$0x4] =	wrdreg $0x9  }
0xb1: {  	_ =	task.clear_ibuf [dreg:s7], $0x5FFFF;
	_ =	strace $0x90000046  }
0xb2: {  	s29 =	simm.s32 $0x9;
	_ =	strace $0x80000048  }
0xb3: {  	_ =	swait.ge [sflag:s29], $0x1  }
0xb4: {  	[sflag:s29] =	ssyncadd.s32 $0xFFFFFFFF  }
0xb5: {  	_ =	strace $0x90000048  }
0xb6: {  	_ =	sfence  }
0xb7: {  	s30 =	sld [smem:$0x0];
	_ =	sdelay $0x2  }
0xb8: {  	s31 =	sshll.u32 s1, $0xD;
	s1 =	sshrl.u32 s1, $0x2  }
0xb9: {  	s3 =	sand.u32 $0x4000, s31;
	s1 =	sadd.s32 s1, s30  }
0xba: {  	s0 =	sor.u32 s3, s0;
	s1 =	sshll.u32 s1, $0x11  }
0xbb: {  	s0 =	sor.u32 s1, s0  }
0xbc: {  	s0 =	sadd.s32 $0x8F2B, s0  }
0xbd: {  	[sflag:s0] =	ssyncadd.remote.s32 $0x1  }
0xbe: {  	_ =	sfence.sel $0xFFFF  }
0xbf: {  	[dreg:$0x0] =	wrdreg $0xFFFFFFFF;
	(pc) =	sbr.abs _section_cstart, $3  }
0xc0: {  	[dreg:$0x1] =	wrdreg $0xFFFFFFFF  }
0xc1: {  	_ =	task.clear_ibuf [dreg:s7], $0x2FFFF;
	_ =	strace $0x9FFFFFFF  }
0xc2: {  	(tm) =	ssettm $0x7FFFFFFF  }
0xc3: {  	_ =	shalt  }
tec
execute0_lowered:
.L_overlay_start_1:
0x0: {  	(tag) =	ssettag $0x1  }
0x1: {  	s1 =	srdreg.scid  }
0x2: {  	s1 =	sand.u32 $0x1, s1  }
0x3: {  	p0 =	seq.s32 s1, $0x1  }
.Ltmp0:
0x4: {  	_ = 	snop;
	(pc) =	sbr.rel @p0 .LBB2_24-.Ltmp0, $4  }
0x5: {  	s4 =	rddreg [dreg:$0x0]  }
0x6: {  	s2 =	rddreg [dreg:$0x1];
	s3 =	simm.s32 $0x0  }
0x7: {  	[smem:$0x7FF] =	sst s3  }
0x8: {  	s0 =	rddreg [dreg:$0x2];
	_ =	strace $0x80000047;
	s1 =	stileid.u32  }
0x9: {  	s5 =	sshrl.u32 s1, $0x3  }
0xa: {  	s6 =	sshll.u32 s1, $0x7;
	s7 =	smul.u32 $0x4800, s5  }
0xb: {  	s6 =	sand.u32 $0x380, s6  }
0xc: {  	s7 =	sor.u32 s6, s7  }
0xd: {  	s29 =	simm.s32 $0x80;
	s7 =	sshrl.u32 s7, $0x3  }
0xe: {  	s8 =	simm.s32 $0x400;
	s30 =	simm.s32 $0x1;
	s4 =	sadd.s32 s4, s7  }
0xf: {  	[tilespmem:s3], [sflag:$0x1] =	stream.strided.gather [hbm4b:s4+s29], $0x900, s8, s29, $0x38;
	[tilespmem:$0xA80] =	vst v63  }
0x10: {  	_ =	swait.ge [sflag:s30], $0x900  }
0x11: {  	[sflag:s30] =	ssyncset.done $0x0  }
0x12: {  	v0 =	vimm.s32 $0x0;
	[sflag:s30] =	ssyncadd.s32 $0xFFFFF700  }
0x13: {  	[tilespmem:$0x900] =	vst v0  }
0x14: {  	[tilespmem:$0x910] =	vst v0  }
0x15: {  	[tilespmem:$0x920] =	vst v0  }
0x16: {  	[tilespmem:$0x930] =	vst v0  }
0x17: {  	[tilespmem:$0x940] =	vst v0  }
0x18: {  	[tilespmem:$0x950] =	vst v0  }
0x19: {  	[tilespmem:$0x960] =	vst v0  }
0x1a: {  	[tilespmem:$0x970] =	vst v0  }
0x1b: {  	[tilespmem:$0x980] =	vst v0  }
0x1c: {  	[tilespmem:$0x990] =	vst v0  }
0x1d: {  	[tilespmem:$0x9A0] =	vst v0  }
0x1e: {  	s31 =	sshll.u32 s5, $0xA;
	[tilespmem:$0x9B0] =	vst v0  }
0x1f: {  	s4 =	sor.u32 s6, s31;
	[tilespmem:$0x9C0] =	vst v0  }
0x20: {  	s4 =	sshrl.u32 s4, $0x3;
	[tilespmem:$0x9D0] =	vst v0  }
0x21: {  	s2 =	sadd.s32 s4, s2;
	[tilespmem:$0x9E0] =	vst v0  }
0x22: {  	s4 =	simm.s32 $0x900;
	s2 =	sadd.s32 $0x800, s2;
	[tilespmem:$0x9F0] =	vst v0;
	v0 =	vimm.s32 $0x1  }
.LBB2_2:
0x23: {  	s5 =	sshra.s32 s3, $0x2  }
0x24: {  	v1 =	vld [tilespmem:s5+$0x0];
	_ =	sdelay $0x4  }
0x25: {  	vm0 =	vgt.s32 v1, $0xFFFFFFFF;
	v1 =	vshrl.u32 v1, $0x17  }
0x26: {  	v1 =	vand.u32 $0xFF, v1;
	_ =	sdelay $0x4  }
0x27: {  	[tilespmem:v1+s4+$0x0] =	vst.idx.add.s32.msk vm0, v0  }
0x28: {  	v1 =	vld [tilespmem:s5+$0x10];
	_ =	sdelay $0x4  }
0x29: {  	vm13 =	vgt.s32 v1, $0xFFFFFFFF;
	v1 =	vshrl.u32 v1, $0x17  }
0x2a: {  	v1 =	vand.u32 $0xFF, v1;
	_ =	sdelay $0x4  }
0x2b: {  	[tilespmem:v1+s4+$0x0] =	vst.idx.add.s32.msk vm13, v0  }
0x2c: {  	v1 =	vld [tilespmem:s5+$0x20];
	_ =	sdelay $0x4  }
0x2d: {  	vm14 =	vgt.s32 v1, $0xFFFFFFFF;
	v1 =	vshrl.u32 v1, $0x17  }
0x2e: {  	v1 =	vand.u32 $0xFF, v1;
	_ =	sdelay $0x4  }
0x2f: {  	[tilespmem:v1+s4+$0x0] =	vst.idx.add.s32.msk vm14, v0  }
0x30: {  	v1 =	vld [tilespmem:s5+$0x30];
	_ =	sdelay $0x4  }
0x31: {  	vm15 =	vgt.s32 v1, $0xFFFFFFFF;
	v1 =	vshrl.u32 v1, $0x17  }
0x32: {  	p0 =	sne.s32 s3, $0x2300;
	v1 =	vand.u32 $0xFF, v1  }
.Ltmp1:
0x33: {  	_ = 	snop;
	(pc) =	sbr.rel @p0 .LBB2_2-.Ltmp1, $2  }
0x34: {  	_ =	sdelay $0x2  }
0x35: {  	s3 =	sadd.s32 $0x100, s3;
	[tilespmem:v1+s4+$0x0] =	vst.idx.add.s32.msk vm15, v0  }
0x36: {  	s3 =	simm.s32 $0xF0  }
0x37: {  	v0 =	vld [tilespmem:s3+$0x900];
	_ =	sdelay $0x1  }
0x38: {  	s21 =	simm.s32 $0xE0  }
0x39: {  	v2 =	vld [tilespmem:s21+$0x900];
	_ =	sdelay $0x1  }
0x3a: {  	(xrf0) =	vadd.scan.msk.s32 $0xffff, v0  }
0x3b: {  	v1 =	vlaneseq.u32  }
0x3c: {  	v1 =	vmul.u32 $0xFFFFFFFF, v1  }
0x3d: {  	(xrf0) =	vadd.scan.msk.s32 $0xffff, v2  }
0x3e: {  	v1 =	vadd.s32 $0xF, v1  }
0x3f: {  	v0 =	vperm.xlane v0, v1  }
0x40: {  	s22 =	simm.s32 $0xD0;
	v3, _, _ =	vpop (xrf0)  }
0x41: {  	v4 =	vld [tilespmem:s22+$0x900];
	(v2sf) =	vpush v3, $0xF  }
0x42: {  	(xrf0) =	vadd.scan.msk.s32 $0xffff, v0  }
0x43: {  	v0, _, _ =	vpop (xrf0)  }
0x44: {  	(v2sf) =	vpush v0, $0xF;
	v0 =	vperm.xlane v2, v1  }
0x45: {  	s23 =	simm.s32 $0xC0  }
0x46: {  	(xrf0) =	vadd.scan.msk.s32 $0xffff, v4;
	v3 =	vld [tilespmem:s23+$0x900];
	_ =	sdelay $0x1  }
0x47: {  	s3 =	simm.s32 $0x0;
	(xrf0) =	vadd.scan.msk.s32 $0xffff, v0;
	v0, _, _ =	vpop (xrf0)  }
0x48: {  	v2 =	vadd.s32 s3, v0;
	_ =	sdelay $0x1  }
0x49: {  	(xrf0) =	vadd.scan.msk.s32 $0xffff, v3  }
0x4a: {  	vm0 =	vgt.s32 v2, $0xFF;
	v2, _, _ =	vpop (xrf0)  }
0x4b: {  	(v2sf) =	vpush v2, $0xF;
	v2 =	vperm.xlane v4, v1  }
0x4c: {  	v0 =	vimm.s32 $0x0  }
0x4d: {  	v5 =	vsel vm0, $0x1, v0  }
0x4e: {  	s4 =	simm.s32 $0xB0;
	(xrf0) =	vadd.scan.msk.s32 $0xffff, v5;
	v4, _, _ =	vpop (xrf0);
	s24 =	spop (v2sf)  }
0x4f: {  	v5 =	vld [tilespmem:s4+$0x900];
	(xrf0) =	vadd.scan.msk.s32 $0xffff, v2;
	v2, _, _ =	vpop (xrf0);
	s4 =	sadd.s32 $0x0, s24  }
0x50: {  	(v2sf) =	vpush v2, $0xF;
	v2 =	vadd.s32 s4, v4  }
0x51: {  	vm0 =	vgt.s32 v2, $0xFF  }
0x52: {  	v2 =	vperm.xlane v3, v1;
	v3 =	vsel vm0, $0x1, v0  }
0x53: {  	s5 =	simm.s32 $0xA0  }
0x54: {  	v6 =	vld [tilespmem:s5+$0x900];
	(xrf0) =	vadd.scan.msk.s32 $0xffff, v5;
	s25 =	spop (v2sf);
	v4, _, _ =	vpop (xrf0)  }
0x55: {  	s4 =	sadd.s32 s4, s25;
	(xrf0) =	vadd.scan.msk.s32 $0xffff, v3;
	v3, _, _ =	vpop (xrf0)  }
0x56: {  	(xrf0) =	vadd.scan.msk.s32 $0xffff, v2;
	v2 =	vadd.s32 s4, v3  }
0x57: {  	vm0 =	vgt.s32 v2, $0xFF  }
0x58: {  	s26 =	simm.s32 $0x90;
	(v2sf) =	vpush v4, $0xF;
	v2 =	vperm.xlane v5, v1;
	v4 =	vsel vm0, $0x1, v0  }
0x59: {  	(xrf0) =	vadd.scan.msk.s32 $0xffff, v6;
	v3 =	vld [tilespmem:s26+$0x900]  }
0x5a: {  	(xrf0) =	vadd.scan.msk.s32 $0xffff, v4  }
0x5b: {  	v4, _, _ =	vpop (xrf0)  }
0x5c: {  	s28 =	spop (v2sf);
	(xrf0) =	vadd.scan.msk.s32 $0xffff, v2;
	v2, _, _ =	vpop (xrf0)  }
0x5d: {  	s4 =	sadd.s32 s4, s28;
	v5, _, _ =	vpop (xrf0)  }
0x5e: {  	(xrf0) =	vadd.scan.msk.s32 $0xffff, v3;
	(v2sf) =	vpush v4, $0xF;
	v5 =	vadd.s32 s4, v5  }
0x5f: {  	(v2sf) =	vpush v2, $0xF;
	v4, _, _ =	vpop (xrf0);
	vm0 =	vgt.s32 v5, $0xFF  }
0x60: {  	v5 =	vperm.xlane v6, v1;
	v6, _, _ =	vpop (xrf0);
	(v2sf) =	vpush v4, $0xF;
	v2 =	vsel vm0, $0x1, v0  }
0x61: {  	s30 =	spop (v2sf);
	(v2sf) =	vpush v6, $0xF;
	_ =	sdelay $0x1  }
0x62: {  	(xrf0) =	vadd.scan.msk.s32 $0xffff, v2;
	v2, _, _ =	vpop (xrf0)  }
0x63: {  	(xrf0) =	vadd.scan.msk.s32 $0xffff, v5;
	v5, _, _ =	vpop (xrf0)  }
0x64: {  	(v2sf) =	vpush v5, $0xF  }
0x65: {  	s29 =	simm.s32 $0x80  }
0x66: {  	v7 =	vld [tilespmem:s29+$0x900];
	_ =	sdelay $0x2  }
0x67: {  	s5 =	sadd.s32 s4, s30  }
0x68: {  	s31 =	simm.s32 $0x70;
	v6 =	vadd.s32 s5, v2  }
0x69: {  	s6 =	simm.s32 $0x180;
	v4 =	vperm.xlane v3, v1;
	v3 =	vld [tilespmem:s31+$0x900];
	s4 =	spop (v2sf);
	(xrf0) =	vadd.scan.msk.s32 $0xffff, v7;
	v2 =	vperm.xlane v7, v1;
	vm0 =	vgt.s32 v6, $0xFF  }
.LBB2_4:
0x6a: {  	p0 =	sne.s32 s6, $0x0  }
0x6b: {  	v6 =	vsel vm0, $0x1, v0;
	s3 =	sadd.s32 s3, s4;
	s4 =	smov.u32 s6;
	s6 =	sadd.s32 $0xFFFFFFC0, s6  }
.Ltmp2:
0x6c: {  	(xrf0) =	vadd.scan.msk.s32 $0xffff, v6;
	v5, _, _ =	vpop (xrf0);
	(pc) =	sbr.rel @p0 .LBB2_4-.Ltmp2, $4  }
0x6d: {  	s7 =	spop (v2sf);
	(v2sf) =	vpush v5, $0xF  }
0x6e: {  	(xrf0) =	vadd.scan.msk.s32 $0xffff, v4;
	v5, _, _ =	vpop (xrf0);
	s5 =	sadd.s32 s5, s7;
	v4 =	vmov v2  }
0x6f: {  	s4 =	sshra.s32 s4, $0x2;
	v2 =	vperm.xlane v3, v1;
	(xrf0) =	vadd.scan.msk.s32 $0xffff, v3;
	v6, _, _ =	vpop (xrf0);
	v5 =	vadd.s32 s5, v5;
	_ =	sdelay $0x1  }
0x70: {  	v3 =	vld [tilespmem:s4+$0x900];
	(v2sf) =	vpush v6, $0xF;
	vm0 =	vgt.s32 v5, $0xFF;
	s4 =	spop (v2sf)  }
0x71: {  	_ = 	snop  }
0x72: {  	v5 =	vsel vm0, $0x1, v0;
	v6, _, _ =	vpop (xrf0)  }
0x73: {  	(xrf0) =	vadd.scan.msk.s32 $0xffff, v5;
	v50, _, _ =	vpop (xrf0)  }
0x74: {  	(v2sf) =	vpush v6, $0xF;
	(xrf0) =	vadd.scan.msk.s32 $0xffff, v4;
	v51, _, _ =	vpop (xrf0)  }
0x75: {  	(v2sf) =	vpush v51, $0xF;
	_ =	sdelay $0x1  }
0x76: {  	s6 =	spop (v2sf)  }
0x77: {  	s5 =	sadd.s32 s5, s6;
	s16 =	spop (v2sf)  }
0x78: {  	s7 =	spop (v2sf);
	v52 =	vadd.s32 s5, v50;
	v53, _, _ =	vpop (xrf0)  }
0x79: {  	s5 =	sadd.s32 s5, s7;
	vm8 =	vgt.s32 v52, $0xFF;
	v54, _, _ =	vpop (xrf0)  }
0x7a: {  	(xrf0) =	vadd.scan.msk.s32 $0xffff, v3;
	v55 =	vsel vm8, $0x1, v0;
	v4 =	vadd.s32 s5, v54  }
0x7b: {  	(xrf0) =	vadd.scan.msk.s32 $0xffff, v55;
	vm9 =	vgt.s32 v4, $0xFF  }
0x7c: {  	v1 =	vperm.xlane v3, v1;
	(xrf0) =	vadd.scan.msk.s32 $0xffff, v2;
	v2 =	vsel vm9, $0x1, v0  }
0x7d: {  	(xrf0) =	vadd.scan.msk.s32 $0xffff, v2  }
0x7e: {  	(xrf0) =	vadd.scan.msk.s32 $0xffff, v1;
	_ =	sdelay $0x1  }
0x7f: {  	s17 =	spop (v2sf);
	v1, _, _ =	vpop (xrf0)  }
0x80: {  	s8 =	spop (v2sf);
	v2, _, _ =	vpop (xrf0)  }
0x81: {  	v3, _, _ =	vpop (xrf0);
	s9 =	spop (v2sf)  }
0x82: {  	s5 =	sadd.s32 s5, s8;
	v56, _, _ =	vpop (xrf0);
	s18 =	spop (v2sf)  }
0x83: {  	v3 =	vadd.s32 s5, v3;
	v57, _, _ =	vpop (xrf0);
	s5 =	sadd.s32 s5, s18  }
0x84: {  	vm10 =	vgt.s32 v3, $0xFF;
	v6 =	vadd.s32 s5, v57  }
0x85: {  	v3 =	vsel vm10, $0x1, v0;
	vm11 =	vgt.s32 v6, $0xFF  }
0x86: {  	(xrf0) =	vadd.scan.msk.s32 $0xffff, v3;
	v0 =	vsel vm11, $0x1, v0  }
0x87: {  	(xrf0) =	vadd.scan.msk.s32 $0xffff, v0;
	_ =	sdelay $0x1  }
0x88: {  	(v2sf) =	vpush v53, $0xF  }
0x89: {  	(v2sf) =	vpush v1, $0xF  }
0x8a: {  	(v2sf) =	vpush v2, $0xF  }
0x8b: {  	(v2sf) =	vpush v56, $0xF;
	v0, _, _ =	vpop (xrf0)  }
0x8c: {  	(v2sf) =	vpush v0, $0xF;
	v0, _, _ =	vpop (xrf0)  }
0x8d: {  	(v2sf) =	vpush v0, $0xF;
	_ =	sdelay $0x7  }
0x8e: {  	s3 =	sadd.s32 s3, s4  }
0x8f: {  	s3 =	sadd.s32 s3, s16  }
0x90: {  	s3 =	sadd.s32 s3, s17;
	s19 =	spop (v2sf)  }
0x91: {  	s3 =	sadd.s32 s3, s9;
	s20 =	spop (v2sf)  }
0x92: {  	s3 =	sadd.s32 s3, s19;
	s21 =	spop (v2sf)  }
0x93: {  	s3 =	sadd.s32 s3, s21;
	s22 =	spop (v2sf)  }
0x94: {  	s5 =	simm.s32 $0x900;
	s3 =	sadd.s32 s3, s22;
	s23 =	spop (v2sf)  }
0x95: {  	s25 =	simm.s32 $0x910;
	v2 =	vld [tilespmem:s5+$0x0];
	s3 =	sadd.s32 s3, s23;
	s24 =	spop (v2sf)  }
0x96: {  	v3 =	vld [tilespmem:s25+$0x0];
	s3 =	sadd.s32 s3, s24  }
0x97: {  	s4 =	simm.s32 $0x0;
	v1 =	vlaneseq.u32;
	s3 =	sadd.s32 $0xFFFFFFFF, s3  }
0x98: {  	s26 =	simm.s32 $0x10;
	v58 =	vor.u32 s4, v1;
	v0 =	vmov s3  }
0x99: {  	v59 =	vor.u32 s26, v1;
	vm12 =	vgt.s32 v58, v0  }
0x9a: {  	vm13 =	vgt.s32 v59, v0;
	v2 =	vnsel vm12, $0x0, v2  }
0x9b: {  	(xrf0) =	vadd.scan.msk.s32 $0xffff, v2;
	v2 =	vnsel vm13, $0x0, v3  }
0x9c: {  	(xrf0) =	vadd.scan.msk.s32 $0xffff, v2;
	_ =	sdelay $0x3  }
0x9d: {  	s28 =	simm.s32 $0x920  }
0x9e: {  	v2 =	vld [tilespmem:s28+$0x0];
	v61, _, _ =	vpop (xrf0)  }
0x9f: {  	(v2sf) =	vpush v61, $0xF;
	v63, _, _ =	vpop (xrf0)  }
0xa0: {  	s30 =	simm.s32 $0x20;
	(v2sf) =	vpush v63, $0xF  }
0xa1: {  	v60 =	vor.u32 s30, v1  }
0xa2: {  	vm14 =	vgt.s32 v60, v0  }
0xa3: {  	s29 =	simm.s32 $0x930;
	v2 =	vnsel vm14, $0x0, v2  }
0xa4: {  	v3 =	vld [tilespmem:s29+$0x0];
	(xrf0) =	vadd.scan.msk.s32 $0xffff, v2;
	_ =	sdelay $0x1  }
0xa5: {  	s31 =	simm.s32 $0x30  }
0xa6: {  	v62 =	vor.u32 s31, v1  }
0xa7: {  	vm15 =	vgt.s32 v62, v0  }
0xa8: {  	s6 =	simm.s32 $0x940;
	s5 =	simm.s32 $0x40;
	v2 =	vnsel vm15, $0x0, v3  }
.LBB2_6:
0xa9: {  	v3 =	vld [tilespmem:s6+$0x0];
	p0 =	sne.s32 s5, $0xF0;
	(xrf0) =	vadd.scan.msk.s32 $0xffff, v2;
	v2, _, _ =	vpop (xrf0);
	s7 =	smov.u32 s5;
	s5 =	sadd.s32 $0x10, s5  }
.Ltmp3:
0xaa: {  	(v2sf) =	vpush v2, $0xF;
	(pc) =	sbr.rel @p0 .LBB2_6-.Ltmp3, $4  }
0xab: {  	_ = 	snop  }
0xac: {  	v2 =	vor.u32 s7, v1  }
0xad: {  	vm0 =	vgt.s32 v2, v0;
	s7 =	spop (v2sf)  }
0xae: {  	s6 =	sadd.s32 $0x10, s6;
	v2 =	vnsel vm0, $0x0, v3;
	s4 =	sadd.s32 s4, s7  }
0xaf: {  	(xrf0) =	vadd.scan.msk.s32 $0xffff, v2;
	_ =	sdelay $0x4  }
0xb0: {  	v1, _, _ =	vpop (xrf0)  }
0xb1: {  	(v2sf) =	vpush v1, $0xF;
	v1, _, _ =	vpop (xrf0)  }
0xb2: {  	(v2sf) =	vpush v1, $0xF;
	v1 =	vimm.s32 $0x0  }
0xb3: {  	[tilespmem:$0x900] =	vst v1  }
0xb4: {  	[tilespmem:$0x910] =	vst v1  }
0xb5: {  	[tilespmem:$0x920] =	vst v1  }
0xb6: {  	[tilespmem:$0x930] =	vst v1  }
0xb7: {  	[tilespmem:$0x940] =	vst v1  }
0xb8: {  	[tilespmem:$0x950] =	vst v1  }
0xb9: {  	[tilespmem:$0x960] =	vst v1  }
0xba: {  	[tilespmem:$0x970] =	vst v1  }
0xbb: {  	[tilespmem:$0x980] =	vst v1  }
0xbc: {  	[tilespmem:$0x990] =	vst v1  }
0xbd: {  	[tilespmem:$0x9A0] =	vst v1  }
0xbe: {  	s5 =	spop (v2sf);
	[tilespmem:$0x9B0] =	vst v1  }
0xbf: {  	s4 =	sadd.s32 s4, s5;
	[tilespmem:$0x9C0] =	vst v1;
	s29 =	spop (v2sf)  }
0xc0: {  	[tilespmem:$0x9D0] =	vst v1;
	s4 =	sadd.s32 s4, s29;
	s30 =	spop (v2sf)  }
0xc1: {  	[tilespmem:$0x9E0] =	vst v1;
	s4 =	sadd.s32 s4, s30;
	s31 =	spop (v2sf)  }
0xc2: {  	s6 =	simm.s32 $0x900;
	s5 =	simm.s32 $0x0;
	[tilespmem:$0x9F0] =	vst v1;
	v1 =	vimm.s32 $0x1;
	s4 =	sadd.s32 s4, s31  }
.LBB2_8:
0xc3: {  	s7 =	sshra.s32 s5, $0x2  }
0xc4: {  	v2 =	vld [tilespmem:s7+$0x0];
	_ =	sdelay $0x4  }
0xc5: {  	v3 =	vshrl.u32 v2, $0x17  }
0xc6: {  	v2 =	vshrl.u32 v2, $0xF;
	vm0 =	veq.s32 v3, v0  }
0xc7: {  	v2 =	vand.u32 $0xFF, v2;
	_ =	sdelay $0x4  }
0xc8: {  	[tilespmem:v2+s6+$0x0] =	vst.idx.add.s32.msk vm0, v1  }
0xc9: {  	v2 =	vld [tilespmem:s7+$0x10];
	_ =	sdelay $0x4  }
0xca: {  	v3 =	vshrl.u32 v2, $0x17  }
0xcb: {  	v2 =	vshrl.u32 v2, $0xF;
	vm13 =	veq.s32 v3, v0  }
0xcc: {  	v2 =	vand.u32 $0xFF, v2;
	_ =	sdelay $0x4  }
0xcd: {  	[tilespmem:v2+s6+$0x0] =	vst.idx.add.s32.msk vm13, v1  }
0xce: {  	v2 =	vld [tilespmem:s7+$0x20];
	_ =	sdelay $0x4  }
0xcf: {  	v3 =	vshrl.u32 v2, $0x17  }
0xd0: {  	v2 =	vshrl.u32 v2, $0xF;
	vm14 =	veq.s32 v3, v0  }
0xd1: {  	v2 =	vand.u32 $0xFF, v2;
	_ =	sdelay $0x4  }
0xd2: {  	[tilespmem:v2+s6+$0x0] =	vst.idx.add.s32.msk vm14, v1  }
0xd3: {  	v2 =	vld [tilespmem:s7+$0x30];
	_ =	sdelay $0x4  }
0xd4: {  	v3 =	vshrl.u32 v2, $0x17  }
0xd5: {  	v2 =	vshrl.u32 v2, $0xF;
	vm15 =	veq.s32 v3, v0  }
0xd6: {  	p0 =	seq.s32 s5, $0x2300;
	v2 =	vand.u32 $0xFF, v2  }
.Ltmp4:
0xd7: {  	_ = 	snop;
	(pc) =	sbr.rel @!p0 .LBB2_8-.Ltmp4, $2  }
0xd8: {  	_ =	sdelay $0x2  }
0xd9: {  	s5 =	sadd.s32 $0x100, s5;
	[tilespmem:v2+s6+$0x0] =	vst.idx.add.s32.msk vm15, v1  }
0xda: {  	s6 =	simm.s32 $0xF0  }
0xdb: {  	v3 =	vld [tilespmem:s6+$0x900];
	_ =	sdelay $0x1  }
0xdc: {  	s20 =	simm.s32 $0xE0  }
0xdd: {  	v4 =	vld [tilespmem:s20+$0x900];
	_ =	sdelay $0x1  }
0xde: {  	(xrf0) =	vadd.scan.msk.s32 $0xffff, v3  }
0xdf: {  	v0 =	vlaneseq.u32  }
0xe0: {  	v1 =	vmul.u32 $0xFFFFFFFF, v0  }
0xe1: {  	(xrf0) =	vadd.scan.msk.s32 $0xffff, v4  }
0xe2: {  	v2 =	vadd.s32 $0xF, v1  }
0xe3: {  	v3 =	vperm.xlane v3, v2  }
0xe4: {  	s21 =	simm.s32 $0xD0;
	v5, _, _ =	vpop (xrf0)  }
0xe5: {  	v6 =	vld [tilespmem:s21+$0x900];
	(v2sf) =	vpush v5, $0xF  }
0xe6: {  	(xrf0) =	vadd.scan.msk.s32 $0xffff, v3  }
0xe7: {  	v3, _, _ =	vpop (xrf0)  }
0xe8: {  	(v2sf) =	vpush v3, $0xF;
	v3 =	vperm.xlane v4, v2  }
0xe9: {  	s22 =	simm.s32 $0xC0  }
0xea: {  	(xrf0) =	vadd.scan.msk.s32 $0xffff, v6;
	v5 =	vld [tilespmem:s22+$0x900];
	_ =	sdelay $0x1  }
0xeb: {  	s5 =	simm.s32 $0x0;
	(xrf0) =	vadd.scan.msk.s32 $0xffff, v3;
	v3, _, _ =	vpop (xrf0)  }
0xec: {  	s4 =	ssub.s32 $0x100, s4;
	v3 =	vadd.s32 s5, v3  }
0xed: {  	v0 =	vmov s4  }
0xee: {  	v1 =	vimm.s32 $0x0;
	(xrf0) =	vadd.scan.msk.s32 $0xffff, v5;
	vm0 =	vge.s32 v3, v0  }
0xef: {  	v4 =	vsel vm0, $0x1, v1;
	v3, _, _ =	vpop (xrf0)  }
0xf0: {  	(xrf0) =	vadd.scan.msk.s32 $0xffff, v4;
	(v2sf) =	vpush v3, $0xF;
	v3 =	vperm.xlane v6, v2;
	_ =	sdelay $0x2  }
0xf1: {  	s23 =	simm.s32 $0xB0;
	v4, _, _ =	vpop (xrf0);
	s24 =	spop (v2sf)  }
0xf2: {  	v6 =	vld [tilespmem:s23+$0x900];
	(xrf0) =	vadd.scan.msk.s32 $0xffff, v3;
	v3, _, _ =	vpop (xrf0);
	s6 =	sadd.s32 $0x0, s24  }
0xf3: {  	(v2sf) =	vpush v3, $0xF;
	v3 =	vadd.s32 s6, v4  }
0xf4: {  	v4, _, _ =	vpop (xrf0);
	vm0 =	vge.s32 v3, v0  }
0xf5: {  	(v2sf) =	vpush v4, $0xF;
	v4 =	vsel vm0, $0x1, v1  }
0xf6: {  	s7 =	simm.s32 $0xA0  }
0xf7: {  	v7 =	vld [tilespmem:s7+$0x900];
	(xrf0) =	vadd.scan.msk.s32 $0xffff, v6;
	s25 =	spop (v2sf);
	v3 =	vperm.xlane v5, v2  }
0xf8: {  	s6 =	sadd.s32 s6, s25;
	(xrf0) =	vadd.scan.msk.s32 $0xffff, v4;
	v4, _, _ =	vpop (xrf0)  }
0xf9: {  	(xrf0) =	vadd.scan.msk.s32 $0xffff, v3;
	v3 =	vadd.s32 s6, v4  }
0xfa: {  	vm0 =	vge.s32 v3, v0  }
0xfb: {  	s26 =	simm.s32 $0x90;
	v3 =	vperm.xlane v6, v2;
	v5 =	vsel vm0, $0x1, v1  }
0xfc: {  	(xrf0) =	vadd.scan.msk.s32 $0xffff, v7;
	v4 =	vld [tilespmem:s26+$0x900]  }
0xfd: {  	(xrf0) =	vadd.scan.msk.s32 $0xffff, v5  }
0xfe: {  	v5, _, _ =	vpop (xrf0)  }
0xff: {  	s28 =	spop (v2sf);
	(xrf0) =	vadd.scan.msk.s32 $0xffff, v3;
	v3, _, _ =	vpop (xrf0)  }
0x100: {  	s6 =	sadd.s32 s6, s28;
	v6, _, _ =	vpop (xrf0)  }
0x101: {  	(xrf0) =	vadd.scan.msk.s32 $0xffff, v4;
	(v2sf) =	vpush v5, $0xF;
	v6 =	vadd.s32 s6, v6  }
0x102: {  	(v2sf) =	vpush v3, $0xF;
	v5, _, _ =	vpop (xrf0);
	vm0 =	vge.s32 v6, v0  }
0x103: {  	v6 =	vperm.xlane v7, v2;
	v7, _, _ =	vpop (xrf0);
	(v2sf) =	vpush v5, $0xF;
	v3 =	vsel vm0, $0x1, v1  }
0x104: {  	s30 =	spop (v2sf);
	(v2sf) =	vpush v7, $0xF;
	_ =	sdelay $0x1  }
0x105: {  	(xrf0) =	vadd.scan.msk.s32 $0xffff, v3;
	v3, _, _ =	vpop (xrf0)  }
0x106: {  	(xrf0) =	vadd.scan.msk.s32 $0xffff, v6;
	v6, _, _ =	vpop (xrf0)  }
0x107: {  	(v2sf) =	vpush v6, $0xF  }
0x108: {  	s29 =	simm.s32 $0x80  }
0x109: {  	v8 =	vld [tilespmem:s29+$0x900];
	_ =	sdelay $0x2  }
0x10a: {  	s7 =	sadd.s32 s6, s30  }
0x10b: {  	s31 =	simm.s32 $0x70;
	v7 =	vadd.s32 s7, v3  }
0x10c: {  	s8 =	simm.s32 $0x180;
	v5 =	vperm.xlane v4, v2;
	v4 =	vld [tilespmem:s31+$0x900];
	s6 =	spop (v2sf);
	(xrf0) =	vadd.scan.msk.s32 $0xffff, v8;
	v3 =	vperm.xlane v8, v2;
	vm0 =	vge.s32 v7, v0  }
.LBB2_10:
0x10d: {  	p0 =	sne.s32 s8, $0x0  }
0x10e: {  	v7 =	vsel vm0, $0x1, v1;
	s5 =	sadd.s32 s5, s6;
	s6 =	smov.u32 s8;
	s8 =	sadd.s32 $0xFFFFFFC0, s8  }
.Ltmp5:
0x10f: {  	(xrf0) =	vadd.scan.msk.s32 $0xffff, v7;
	v6, _, _ =	vpop (xrf0);
	(pc) =	sbr.rel @p0 .LBB2_10-.Ltmp5, $4  }
0x110: {  	s9 =	spop (v2sf);
	(v2sf) =	vpush v6, $0xF  }
0x111: {  	(xrf0) =	vadd.scan.msk.s32 $0xffff, v5;
	v6, _, _ =	vpop (xrf0);
	s7 =	sadd.s32 s7, s9;
	v5 =	vmov v3  }
0x112: {  	s6 =	sshra.s32 s6, $0x2;
	v3 =	vperm.xlane v4, v2;
	(xrf0) =	vadd.scan.msk.s32 $0xffff, v4;
	v7, _, _ =	vpop (xrf0);
	v6 =	vadd.s32 s7, v6;
	_ =	sdelay $0x1  }
0x113: {  	v4 =	vld [tilespmem:s6+$0x900];
	(v2sf) =	vpush v7, $0xF;
	vm0 =	vge.s32 v6, v0;
	s6 =	spop (v2sf)  }
0x114: {  	_ = 	snop  }
0x115: {  	v6 =	vsel vm0, $0x1, v1;
	v7, _, _ =	vpop (xrf0)  }
0x116: {  	(xrf0) =	vadd.scan.msk.s32 $0xffff, v6;
	v49, _, _ =	vpop (xrf0)  }
0x117: {  	(v2sf) =	vpush v7, $0xF;
	(xrf0) =	vadd.scan.msk.s32 $0xffff, v5;
	v50, _, _ =	vpop (xrf0)  }
0x118: {  	(v2sf) =	vpush v50, $0xF;
	_ =	sdelay $0x1  }
0x119: {  	s8 =	spop (v2sf)  }
0x11a: {  	s7 =	sadd.s32 s7, s8;
	s16 =	spop (v2sf)  }
0x11b: {  	s9 =	spop (v2sf);
	v51 =	vadd.s32 s7, v49;
	v52, _, _ =	vpop (xrf0)  }
0x11c: {  	s7 =	sadd.s32 s7, s9;
	vm8 =	vge.s32 v51, v0;
	v53, _, _ =	vpop (xrf0)  }
0x11d: {  	(xrf0) =	vadd.scan.msk.s32 $0xffff, v4;
	v54 =	vsel vm8, $0x1, v1;
	v5 =	vadd.s32 s7, v53  }
0x11e: {  	(xrf0) =	vadd.scan.msk.s32 $0xffff, v54;
	vm9 =	vge.s32 v5, v0  }
0x11f: {  	v2 =	vperm.xlane v4, v2;
	(xrf0) =	vadd.scan.msk.s32 $0xffff, v3;
	v3 =	vsel vm9, $0x1, v1  }
0x120: {  	(xrf0) =	vadd.scan.msk.s32 $0xffff, v3  }
0x121: {  	(xrf0) =	vadd.scan.msk.s32 $0xffff, v2;
	_ =	sdelay $0x1  }
0x122: {  	s17 =	spop (v2sf);
	v2, _, _ =	vpop (xrf0)  }
0x123: {  	s10 =	spop (v2sf);
	v3, _, _ =	vpop (xrf0)  }
0x124: {  	v55, _, _ =	vpop (xrf0);
	s11 =	spop (v2sf)  }
0x125: {  	s7 =	sadd.s32 s7, s10;
	v56, _, _ =	vpop (xrf0);
	s18 =	spop (v2sf)  }
0x126: {  	v4 =	vadd.s32 s7, v55;
	v57, _, _ =	vpop (xrf0);
	s7 =	sadd.s32 s7, s18  }
0x127: {  	vm10 =	vge.s32 v4, v0;
	v7 =	vadd.s32 s7, v57  }
0x128: {  	v4 =	vsel vm10, $0x1, v1;
	vm11 =	vge.s32 v7, v0  }
0x129: {  	(xrf0) =	vadd.scan.msk.s32 $0xffff, v4;
	v0 =	vsel vm11, $0x1, v1  }
0x12a: {  	(xrf0) =	vadd.scan.msk.s32 $0xffff, v0;
	_ =	sdelay $0x1  }
0x12b: {  	(v2sf) =	vpush v52, $0xF  }
0x12c: {  	(v2sf) =	vpush v2, $0xF  }
0x12d: {  	(v2sf) =	vpush v3, $0xF  }
0x12e: {  	(v2sf) =	vpush v56, $0xF;
	v0, _, _ =	vpop (xrf0)  }
0x12f: {  	(v2sf) =	vpush v0, $0xF;
	v0, _, _ =	vpop (xrf0)  }
0x130: {  	(v2sf) =	vpush v0, $0xF;
	_ =	sdelay $0x7  }
0x131: {  	s5 =	sadd.s32 s5, s6  }
0x132: {  	s5 =	sadd.s32 s5, s16  }
0x133: {  	s5 =	sadd.s32 s5, s17;
	s19 =	spop (v2sf)  }
0x134: {  	s5 =	sadd.s32 s5, s11;
	s20 =	spop (v2sf)  }
0x135: {  	s5 =	sadd.s32 s5, s19;
	s21 =	spop (v2sf)  }
0x136: {  	s5 =	sadd.s32 s5, s21;
	s22 =	spop (v2sf)  }
0x137: {  	s7 =	simm.s32 $0x900;
	s5 =	sadd.s32 s5, s22;
	s23 =	spop (v2sf)  }
0x138: {  	s25 =	simm.s32 $0x910;
	v2 =	vld [tilespmem:s7+$0x0];
	s5 =	sadd.s32 s5, s23;
	s24 =	spop (v2sf)  }
0x139: {  	v3 =	vld [tilespmem:s25+$0x0];
	s5 =	sadd.s32 s5, s24  }
0x13a: {  	s6 =	simm.s32 $0x0;
	v0 =	vlaneseq.u32;
	s5 =	sadd.s32 $0xFFFFFFFF, s5  }
0x13b: {  	s26 =	simm.s32 $0x10;
	v58 =	vor.u32 s6, v0;
	v1 =	vmov s5  }
0x13c: {  	v59 =	vor.u32 s26, v0;
	vm12 =	vgt.s32 v58, v1  }
0x13d: {  	vm13 =	vgt.s32 v59, v1;
	v2 =	vnsel vm12, $0x0, v2  }
0x13e: {  	(xrf0) =	vadd.scan.msk.s32 $0xffff, v2;
	v2 =	vnsel vm13, $0x0, v3  }
0x13f: {  	(xrf0) =	vadd.scan.msk.s32 $0xffff, v2;
	_ =	sdelay $0x3  }
0x140: {  	s28 =	simm.s32 $0x920  }
0x141: {  	v2 =	vld [tilespmem:s28+$0x0];
	v61, _, _ =	vpop (xrf0)  }
0x142: {  	(v2sf) =	vpush v61, $0xF;
	v63, _, _ =	vpop (xrf0)  }
0x143: {  	s30 =	simm.s32 $0x20;
	(v2sf) =	vpush v63, $0xF  }
0x144: {  	v60 =	vor.u32 s30, v0  }
0x145: {  	vm14 =	vgt.s32 v60, v1  }
0x146: {  	s29 =	simm.s32 $0x930;
	v2 =	vnsel vm14, $0x0, v2  }
0x147: {  	v3 =	vld [tilespmem:s29+$0x0];
	(xrf0) =	vadd.scan.msk.s32 $0xffff, v2;
	_ =	sdelay $0x1  }
0x148: {  	s31 =	simm.s32 $0x30  }
0x149: {  	v62 =	vor.u32 s31, v0  }
0x14a: {  	vm15 =	vgt.s32 v62, v1  }
0x14b: {  	s8 =	simm.s32 $0x940;
	s7 =	simm.s32 $0x40;
	v2 =	vnsel vm15, $0x0, v3  }
.LBB2_12:
0x14c: {  	v3 =	vld [tilespmem:s8+$0x0];
	p0 =	sne.s32 s7, $0xF0;
	(xrf0) =	vadd.scan.msk.s32 $0xffff, v2;
	v2, _, _ =	vpop (xrf0);
	s9 =	smov.u32 s7;
	s7 =	sadd.s32 $0x10, s7  }
.Ltmp6:
0x14d: {  	(v2sf) =	vpush v2, $0xF;
	(pc) =	sbr.rel @p0 .LBB2_12-.Ltmp6, $4  }
0x14e: {  	_ = 	snop  }
0x14f: {  	v2 =	vor.u32 s9, v0  }
0x150: {  	vm0 =	vgt.s32 v2, v1;
	s9 =	spop (v2sf)  }
0x151: {  	s8 =	sadd.s32 $0x10, s8;
	v2 =	vnsel vm0, $0x0, v3;
	s6 =	sadd.s32 s6, s9  }
0x152: {  	(xrf0) =	vadd.scan.msk.s32 $0xffff, v2;
	_ =	sdelay $0x4  }
0x153: {  	v0, _, _ =	vpop (xrf0)  }
0x154: {  	(v2sf) =	vpush v0, $0xF;
	v0, _, _ =	vpop (xrf0)  }
0x155: {  	(v2sf) =	vpush v0, $0xF;
	v0 =	vimm.s32 $0x0  }
0x156: {  	[tilespmem:$0x900] =	vst v0  }
0x157: {  	[tilespmem:$0x910] =	vst v0  }
0x158: {  	[tilespmem:$0x920] =	vst v0  }
0x159: {  	[tilespmem:$0x930] =	vst v0  }
0x15a: {  	[tilespmem:$0x940] =	vst v0  }
0x15b: {  	[tilespmem:$0x950] =	vst v0  }
0x15c: {  	[tilespmem:$0x960] =	vst v0  }
0x15d: {  	[tilespmem:$0x970] =	vst v0  }
0x15e: {  	[tilespmem:$0x980] =	vst v0  }
0x15f: {  	[tilespmem:$0x990] =	vst v0  }
0x160: {  	[tilespmem:$0x9A0] =	vst v0  }
0x161: {  	s7 =	spop (v2sf);
	[tilespmem:$0x9B0] =	vst v0  }
0x162: {  	s6 =	sadd.s32 s6, s7;
	[tilespmem:$0x9C0] =	vst v0;
	s29 =	spop (v2sf)  }
0x163: {  	s3 =	sshll.u32 s3, $0x8;
	[tilespmem:$0x9D0] =	vst v0;
	s6 =	sadd.s32 s6, s29;
	s30 =	spop (v2sf)  }
0x164: {  	s3 =	sor.u32 s3, s5;
	[tilespmem:$0x9E0] =	vst v0;
	s6 =	sadd.s32 s6, s30;
	s31 =	spop (v2sf)  }
0x165: {  	v1 =	vimm.s32 $0x1;
	s7 =	simm.s32 $0x900;
	[tilespmem:$0x9F0] =	vst v0;
	v0 =	vmov s3;
	s5 =	sadd.s32 s6, s31;
	s6 =	simm.s32 $0x0  }
.LBB2_14:
0x166: {  	s8 =	sshra.s32 s6, $0x2  }
0x167: {  	v2 =	vld [tilespmem:s8+$0x0];
	_ =	sdelay $0x4  }
0x168: {  	v3 =	vshrl.u32 v2, $0xF  }
0x169: {  	v2 =	vshrl.u32 v2, $0x7;
	vm0 =	veq.s32 v3, v0  }
0x16a: {  	v2 =	vand.u32 $0xFF, v2;
	_ =	sdelay $0x4  }
0x16b: {  	[tilespmem:v2+s7+$0x0] =	vst.idx.add.s32.msk vm0, v1  }
0x16c: {  	v2 =	vld [tilespmem:s8+$0x10];
	_ =	sdelay $0x4  }
0x16d: {  	v3 =	vshrl.u32 v2, $0xF  }
0x16e: {  	v2 =	vshrl.u32 v2, $0x7;
	vm13 =	veq.s32 v3, v0  }
0x16f: {  	v2 =	vand.u32 $0xFF, v2;
	_ =	sdelay $0x4  }
0x170: {  	[tilespmem:v2+s7+$0x0] =	vst.idx.add.s32.msk vm13, v1  }
0x171: {  	v2 =	vld [tilespmem:s8+$0x20];
	_ =	sdelay $0x4  }
0x172: {  	v3 =	vshrl.u32 v2, $0xF  }
0x173: {  	v2 =	vshrl.u32 v2, $0x7;
	vm14 =	veq.s32 v3, v0  }
0x174: {  	v2 =	vand.u32 $0xFF, v2;
	_ =	sdelay $0x4  }
0x175: {  	[tilespmem:v2+s7+$0x0] =	vst.idx.add.s32.msk vm14, v1  }
0x176: {  	v2 =	vld [tilespmem:s8+$0x30];
	_ =	sdelay $0x4  }
0x177: {  	v3 =	vshrl.u32 v2, $0xF  }
0x178: {  	v2 =	vshrl.u32 v2, $0x7;
	vm15 =	veq.s32 v3, v0  }
0x179: {  	p0 =	seq.s32 s6, $0x2300;
	v2 =	vand.u32 $0xFF, v2  }
.Ltmp7:
0x17a: {  	_ = 	snop;
	(pc) =	sbr.rel @!p0 .LBB2_14-.Ltmp7, $2  }
0x17b: {  	_ =	sdelay $0x2  }
0x17c: {  	s6 =	sadd.s32 $0x100, s6;
	[tilespmem:v2+s7+$0x0] =	vst.idx.add.s32.msk vm15, v1  }
0x17d: {  	s6 =	simm.s32 $0xF0  }
0x17e: {  	v3 =	vld [tilespmem:s6+$0x900];
	_ =	sdelay $0x1  }
0x17f: {  	s20 =	simm.s32 $0xE0  }
0x180: {  	v4 =	vld [tilespmem:s20+$0x900];
	_ =	sdelay $0x1  }
0x181: {  	(xrf0) =	vadd.scan.msk.s32 $0xffff, v3  }
0x182: {  	v0 =	vlaneseq.u32  }
0x183: {  	v1 =	vmul.u32 $0xFFFFFFFF, v0  }
0x184: {  	(xrf0) =	vadd.scan.msk.s32 $0xffff, v4  }
0x185: {  	v2 =	vadd.s32 $0xF, v1  }
0x186: {  	v3 =	vperm.xlane v3, v2  }
0x187: {  	s21 =	simm.s32 $0xD0;
	v5, _, _ =	vpop (xrf0)  }
0x188: {  	v6 =	vld [tilespmem:s21+$0x900];
	(v2sf) =	vpush v5, $0xF  }
0x189: {  	(xrf0) =	vadd.scan.msk.s32 $0xffff, v3  }
0x18a: {  	v3, _, _ =	vpop (xrf0)  }
0x18b: {  	(v2sf) =	vpush v3, $0xF;
	v3 =	vperm.xlane v4, v2  }
0x18c: {  	s22 =	simm.s32 $0xC0  }
0x18d: {  	(xrf0) =	vadd.scan.msk.s32 $0xffff, v6;
	v5 =	vld [tilespmem:s22+$0x900];
	_ =	sdelay $0x1  }
0x18e: {  	s4 =	ssub.s32 s4, s5;
	s5 =	simm.s32 $0x0;
	(xrf0) =	vadd.scan.msk.s32 $0xffff, v3;
	v3, _, _ =	vpop (xrf0)  }
0x18f: {  	v3 =	vadd.s32 s5, v3  }
0x190: {  	v0 =	vmov s4  }
0x191: {  	v1 =	vimm.s32 $0x0;
	(xrf0) =	vadd.scan.msk.s32 $0xffff, v5;
	vm0 =	vge.s32 v3, v0  }
0x192: {  	v4 =	vsel vm0, $0x1, v1;
	v3, _, _ =	vpop (xrf0)  }
0x193: {  	(xrf0) =	vadd.scan.msk.s32 $0xffff, v4;
	(v2sf) =	vpush v3, $0xF;
	v3 =	vperm.xlane v6, v2;
	_ =	sdelay $0x2  }
0x194: {  	s23 =	simm.s32 $0xB0;
	v4, _, _ =	vpop (xrf0);
	s24 =	spop (v2sf)  }
0x195: {  	v6 =	vld [tilespmem:s23+$0x900];
	(xrf0) =	vadd.scan.msk.s32 $0xffff, v3;
	v3, _, _ =	vpop (xrf0);
	s6 =	sadd.s32 $0x0, s24  }
0x196: {  	(v2sf) =	vpush v3, $0xF;
	v3 =	vadd.s32 s6, v4  }
0x197: {  	v4, _, _ =	vpop (xrf0);
	vm0 =	vge.s32 v3, v0  }
0x198: {  	(v2sf) =	vpush v4, $0xF;
	v4 =	vsel vm0, $0x1, v1  }
0x199: {  	s7 =	simm.s32 $0xA0  }
0x19a: {  	v7 =	vld [tilespmem:s7+$0x900];
	(xrf0) =	vadd.scan.msk.s32 $0xffff, v6;
	s25 =	spop (v2sf);
	v3 =	vperm.xlane v5, v2  }
0x19b: {  	s6 =	sadd.s32 s6, s25;
	(xrf0) =	vadd.scan.msk.s32 $0xffff, v4;
	v4, _, _ =	vpop (xrf0)  }
0x19c: {  	(xrf0) =	vadd.scan.msk.s32 $0xffff, v3;
	v3 =	vadd.s32 s6, v4  }
0x19d: {  	vm0 =	vge.s32 v3, v0  }
0x19e: {  	s26 =	simm.s32 $0x90;
	v3 =	vperm.xlane v6, v2;
	v5 =	vsel vm0, $0x1, v1  }
0x19f: {  	(xrf0) =	vadd.scan.msk.s32 $0xffff, v7;
	v4 =	vld [tilespmem:s26+$0x900]  }
0x1a0: {  	(xrf0) =	vadd.scan.msk.s32 $0xffff, v5  }
0x1a1: {  	v5, _, _ =	vpop (xrf0)  }
0x1a2: {  	s28 =	spop (v2sf);
	(xrf0) =	vadd.scan.msk.s32 $0xffff, v3;
	v3, _, _ =	vpop (xrf0)  }
0x1a3: {  	s6 =	sadd.s32 s6, s28;
	v6, _, _ =	vpop (xrf0)  }
0x1a4: {  	(xrf0) =	vadd.scan.msk.s32 $0xffff, v4;
	(v2sf) =	vpush v5, $0xF;
	v6 =	vadd.s32 s6, v6  }
0x1a5: {  	(v2sf) =	vpush v3, $0xF;
	v5, _, _ =	vpop (xrf0);
	vm0 =	vge.s32 v6, v0  }
0x1a6: {  	v6 =	vperm.xlane v7, v2;
	v7, _, _ =	vpop (xrf0);
	(v2sf) =	vpush v5, $0xF;
	v3 =	vsel vm0, $0x1, v1  }
0x1a7: {  	s30 =	spop (v2sf);
	(v2sf) =	vpush v7, $0xF;
	_ =	sdelay $0x1  }
0x1a8: {  	(xrf0) =	vadd.scan.msk.s32 $0xffff, v3;
	v3, _, _ =	vpop (xrf0)  }
0x1a9: {  	(xrf0) =	vadd.scan.msk.s32 $0xffff, v6;
	v6, _, _ =	vpop (xrf0)  }
0x1aa: {  	(v2sf) =	vpush v6, $0xF  }
0x1ab: {  	s29 =	simm.s32 $0x80  }
0x1ac: {  	v8 =	vld [tilespmem:s29+$0x900];
	_ =	sdelay $0x2  }
0x1ad: {  	s7 =	sadd.s32 s6, s30  }
0x1ae: {  	s31 =	simm.s32 $0x70;
	v7 =	vadd.s32 s7, v3  }
0x1af: {  	s8 =	simm.s32 $0x180;
	v5 =	vperm.xlane v4, v2;
	v4 =	vld [tilespmem:s31+$0x900];
	s6 =	spop (v2sf);
	(xrf0) =	vadd.scan.msk.s32 $0xffff, v8;
	v3 =	vperm.xlane v8, v2;
	vm0 =	vge.s32 v7, v0  }
.LBB2_16:
0x1b0: {  	p0 =	sne.s32 s8, $0x0  }
0x1b1: {  	v7 =	vsel vm0, $0x1, v1;
	s5 =	sadd.s32 s5, s6;
	s6 =	smov.u32 s8;
	s8 =	sadd.s32 $0xFFFFFFC0, s8  }
.Ltmp8:
0x1b2: {  	(xrf0) =	vadd.scan.msk.s32 $0xffff, v7;
	v6, _, _ =	vpop (xrf0);
	(pc) =	sbr.rel @p0 .LBB2_16-.Ltmp8, $4  }
0x1b3: {  	s9 =	spop (v2sf);
	(v2sf) =	vpush v6, $0xF  }
0x1b4: {  	(xrf0) =	vadd.scan.msk.s32 $0xffff, v5;
	v6, _, _ =	vpop (xrf0);
	s7 =	sadd.s32 s7, s9;
	v5 =	vmov v3  }
0x1b5: {  	s6 =	sshra.s32 s6, $0x2;
	v3 =	vperm.xlane v4, v2;
	(xrf0) =	vadd.scan.msk.s32 $0xffff, v4;
	v7, _, _ =	vpop (xrf0);
	v6 =	vadd.s32 s7, v6;
	_ =	sdelay $0x1  }
0x1b6: {  	v4 =	vld [tilespmem:s6+$0x900];
	(v2sf) =	vpush v7, $0xF;
	vm0 =	vge.s32 v6, v0;
	s6 =	spop (v2sf)  }
0x1b7: {  	_ = 	snop  }
0x1b8: {  	v6 =	vsel vm0, $0x1, v1;
	v7, _, _ =	vpop (xrf0)  }
0x1b9: {  	(xrf0) =	vadd.scan.msk.s32 $0xffff, v6;
	v49, _, _ =	vpop (xrf0)  }
0x1ba: {  	(v2sf) =	vpush v7, $0xF;
	(xrf0) =	vadd.scan.msk.s32 $0xffff, v5;
	v50, _, _ =	vpop (xrf0)  }
0x1bb: {  	(v2sf) =	vpush v50, $0xF;
	_ =	sdelay $0x1  }
0x1bc: {  	s8 =	spop (v2sf)  }
0x1bd: {  	s7 =	sadd.s32 s7, s8;
	s16 =	spop (v2sf)  }
0x1be: {  	s9 =	spop (v2sf);
	v51 =	vadd.s32 s7, v49;
	v52, _, _ =	vpop (xrf0)  }
0x1bf: {  	s7 =	sadd.s32 s7, s9;
	vm8 =	vge.s32 v51, v0;
	v53, _, _ =	vpop (xrf0)  }
0x1c0: {  	(xrf0) =	vadd.scan.msk.s32 $0xffff, v4;
	v54 =	vsel vm8, $0x1, v1;
	v5 =	vadd.s32 s7, v53  }
0x1c1: {  	(xrf0) =	vadd.scan.msk.s32 $0xffff, v54;
	vm9 =	vge.s32 v5, v0  }
0x1c2: {  	v2 =	vperm.xlane v4, v2;
	(xrf0) =	vadd.scan.msk.s32 $0xffff, v3;
	v3 =	vsel vm9, $0x1, v1  }
0x1c3: {  	(xrf0) =	vadd.scan.msk.s32 $0xffff, v3  }
0x1c4: {  	(xrf0) =	vadd.scan.msk.s32 $0xffff, v2;
	_ =	sdelay $0x1  }
0x1c5: {  	s17 =	spop (v2sf);
	v2, _, _ =	vpop (xrf0)  }
0x1c6: {  	s10 =	spop (v2sf);
	v3, _, _ =	vpop (xrf0)  }
0x1c7: {  	v55, _, _ =	vpop (xrf0);
	s11 =	spop (v2sf)  }
0x1c8: {  	s7 =	sadd.s32 s7, s10;
	v56, _, _ =	vpop (xrf0);
	s18 =	spop (v2sf)  }
0x1c9: {  	v4 =	vadd.s32 s7, v55;
	v57, _, _ =	vpop (xrf0);
	s7 =	sadd.s32 s7, s18  }
0x1ca: {  	vm10 =	vge.s32 v4, v0;
	v7 =	vadd.s32 s7, v57  }
0x1cb: {  	v4 =	vsel vm10, $0x1, v1;
	vm11 =	vge.s32 v7, v0  }
0x1cc: {  	(xrf0) =	vadd.scan.msk.s32 $0xffff, v4;
	v0 =	vsel vm11, $0x1, v1  }
0x1cd: {  	(xrf0) =	vadd.scan.msk.s32 $0xffff, v0;
	_ =	sdelay $0x1  }
0x1ce: {  	(v2sf) =	vpush v52, $0xF  }
0x1cf: {  	(v2sf) =	vpush v2, $0xF  }
0x1d0: {  	(v2sf) =	vpush v3, $0xF  }
0x1d1: {  	(v2sf) =	vpush v56, $0xF;
	v0, _, _ =	vpop (xrf0)  }
0x1d2: {  	(v2sf) =	vpush v0, $0xF;
	v0, _, _ =	vpop (xrf0)  }
0x1d3: {  	(v2sf) =	vpush v0, $0xF;
	_ =	sdelay $0x7  }
0x1d4: {  	s5 =	sadd.s32 s5, s6  }
0x1d5: {  	s5 =	sadd.s32 s5, s16  }
0x1d6: {  	s5 =	sadd.s32 s5, s17;
	s19 =	spop (v2sf)  }
0x1d7: {  	s5 =	sadd.s32 s5, s11;
	s20 =	spop (v2sf)  }
0x1d8: {  	s5 =	sadd.s32 s5, s19;
	s21 =	spop (v2sf)  }
0x1d9: {  	s5 =	sadd.s32 s5, s21;
	s22 =	spop (v2sf)  }
0x1da: {  	s7 =	simm.s32 $0x900;
	s5 =	sadd.s32 s5, s22;
	s23 =	spop (v2sf)  }
0x1db: {  	s25 =	simm.s32 $0x910;
	v2 =	vld [tilespmem:s7+$0x0];
	s5 =	sadd.s32 s5, s23;
	s24 =	spop (v2sf)  }
0x1dc: {  	v3 =	vld [tilespmem:s25+$0x0];
	s5 =	sadd.s32 s5, s24  }
0x1dd: {  	s6 =	simm.s32 $0x0;
	v0 =	vlaneseq.u32;
	s5 =	sadd.s32 $0xFFFFFFFF, s5  }
0x1de: {  	s26 =	simm.s32 $0x10;
	v58 =	vor.u32 s6, v0;
	v1 =	vmov s5  }
0x1df: {  	v59 =	vor.u32 s26, v0;
	vm12 =	vgt.s32 v58, v1  }
0x1e0: {  	vm13 =	vgt.s32 v59, v1;
	v2 =	vnsel vm12, $0x0, v2  }
0x1e1: {  	(xrf0) =	vadd.scan.msk.s32 $0xffff, v2;
	v2 =	vnsel vm13, $0x0, v3  }
0x1e2: {  	(xrf0) =	vadd.scan.msk.s32 $0xffff, v2;
	_ =	sdelay $0x3  }
0x1e3: {  	s28 =	simm.s32 $0x920  }
0x1e4: {  	v2 =	vld [tilespmem:s28+$0x0];
	v61, _, _ =	vpop (xrf0)  }
0x1e5: {  	(v2sf) =	vpush v61, $0xF;
	v63, _, _ =	vpop (xrf0)  }
0x1e6: {  	s30 =	simm.s32 $0x20;
	(v2sf) =	vpush v63, $0xF  }
0x1e7: {  	v60 =	vor.u32 s30, v0  }
0x1e8: {  	vm14 =	vgt.s32 v60, v1  }
0x1e9: {  	s29 =	simm.s32 $0x930;
	v2 =	vnsel vm14, $0x0, v2  }
0x1ea: {  	v3 =	vld [tilespmem:s29+$0x0];
	(xrf0) =	vadd.scan.msk.s32 $0xffff, v2;
	_ =	sdelay $0x1  }
0x1eb: {  	s31 =	simm.s32 $0x30  }
0x1ec: {  	v62 =	vor.u32 s31, v0  }
0x1ed: {  	vm15 =	vgt.s32 v62, v1  }
0x1ee: {  	s8 =	simm.s32 $0x940;
	s7 =	simm.s32 $0x40;
	v2 =	vnsel vm15, $0x0, v3  }
.LBB2_18:
0x1ef: {  	v3 =	vld [tilespmem:s8+$0x0];
	p0 =	sne.s32 s7, $0xF0;
	(xrf0) =	vadd.scan.msk.s32 $0xffff, v2;
	v2, _, _ =	vpop (xrf0);
	s9 =	smov.u32 s7;
	s7 =	sadd.s32 $0x10, s7  }
.Ltmp9:
0x1f0: {  	(v2sf) =	vpush v2, $0xF;
	(pc) =	sbr.rel @p0 .LBB2_18-.Ltmp9, $4  }
0x1f1: {  	_ = 	snop  }
0x1f2: {  	v2 =	vor.u32 s9, v0  }
0x1f3: {  	vm0 =	vgt.s32 v2, v1;
	s9 =	spop (v2sf)  }
0x1f4: {  	s8 =	sadd.s32 $0x10, s8;
	v2 =	vnsel vm0, $0x0, v3;
	s6 =	sadd.s32 s6, s9  }
0x1f5: {  	(xrf0) =	vadd.scan.msk.s32 $0xffff, v2;
	_ =	sdelay $0x4  }
0x1f6: {  	v0, _, _ =	vpop (xrf0)  }
0x1f7: {  	(v2sf) =	vpush v0, $0xF;
	v0, _, _ =	vpop (xrf0)  }
0x1f8: {  	(v2sf) =	vpush v0, $0xF;
	v0 =	vimm.s32 $0x0  }
0x1f9: {  	[tilespmem:$0x900] =	vst v0  }
0x1fa: {  	[tilespmem:$0x910] =	vst v0  }
0x1fb: {  	[tilespmem:$0x920] =	vst v0  }
0x1fc: {  	[tilespmem:$0x930] =	vst v0  }
0x1fd: {  	[tilespmem:$0x940] =	vst v0  }
0x1fe: {  	[tilespmem:$0x950] =	vst v0  }
0x1ff: {  	[tilespmem:$0x960] =	vst v0  }
0x200: {  	[tilespmem:$0x970] =	vst v0  }
0x201: {  	[tilespmem:$0x980] =	vst v0  }
0x202: {  	[tilespmem:$0x990] =	vst v0  }
0x203: {  	[tilespmem:$0x9A0] =	vst v0  }
0x204: {  	s7 =	spop (v2sf);
	[tilespmem:$0x9B0] =	vst v0  }
0x205: {  	s6 =	sadd.s32 s6, s7;
	[tilespmem:$0x9C0] =	vst v0;
	s29 =	spop (v2sf)  }
0x206: {  	s3 =	sshll.u32 s3, $0x8;
	[tilespmem:$0x9D0] =	vst v0;
	s6 =	sadd.s32 s6, s29;
	s30 =	spop (v2sf)  }
0x207: {  	s3 =	sor.u32 s3, s5;
	[tilespmem:$0x9E0] =	vst v0;
	s6 =	sadd.s32 s6, s30;
	s31 =	spop (v2sf)  }
0x208: {  	v1 =	vimm.s32 $0x1;
	s7 =	simm.s32 $0x900;
	[tilespmem:$0x9F0] =	vst v0;
	v0 =	vmov s3;
	s5 =	sadd.s32 s6, s31;
	s6 =	simm.s32 $0x0  }
.LBB2_20:
0x209: {  	s8 =	sshra.s32 s6, $0x2  }
0x20a: {  	v2 =	vld [tilespmem:s8+$0x0];
	_ =	sdelay $0x4  }
0x20b: {  	v3 =	vshrl.u32 v2, $0x7  }
0x20c: {  	vm0 =	veq.s32 v3, v0  }
0x20d: {  	v2 =	vand.u32 $0xFF, v2;
	_ =	sdelay $0x4  }
0x20e: {  	[tilespmem:v2+s7+$0x0] =	vst.idx.add.s32.msk vm0, v1  }
0x20f: {  	v2 =	vld [tilespmem:s8+$0x10];
	_ =	sdelay $0x4  }
0x210: {  	v3 =	vshrl.u32 v2, $0x7  }
0x211: {  	vm13 =	veq.s32 v3, v0  }
0x212: {  	v2 =	vand.u32 $0xFF, v2;
	_ =	sdelay $0x4  }
0x213: {  	[tilespmem:v2+s7+$0x0] =	vst.idx.add.s32.msk vm13, v1  }
0x214: {  	v2 =	vld [tilespmem:s8+$0x20];
	_ =	sdelay $0x4  }
0x215: {  	v3 =	vshrl.u32 v2, $0x7  }
0x216: {  	vm14 =	veq.s32 v3, v0  }
0x217: {  	v2 =	vand.u32 $0xFF, v2;
	_ =	sdelay $0x4  }
0x218: {  	[tilespmem:v2+s7+$0x0] =	vst.idx.add.s32.msk vm14, v1  }
0x219: {  	v2 =	vld [tilespmem:s8+$0x30];
	_ =	sdelay $0x4  }
0x21a: {  	v3 =	vshrl.u32 v2, $0x7  }
0x21b: {  	vm15 =	veq.s32 v3, v0  }
0x21c: {  	p0 =	seq.s32 s6, $0x2300;
	v2 =	vand.u32 $0xFF, v2  }
.Ltmp10:
0x21d: {  	_ = 	snop;
	(pc) =	sbr.rel @!p0 .LBB2_20-.Ltmp10, $2  }
0x21e: {  	_ =	sdelay $0x2  }
0x21f: {  	s6 =	sadd.s32 $0x100, s6;
	[tilespmem:v2+s7+$0x0] =	vst.idx.add.s32.msk vm15, v1  }
0x220: {  	s19 =	simm.s32 $0xF0  }
0x221: {  	v3 =	vld [tilespmem:s19+$0x900];
	_ =	sdelay $0x1  }
0x222: {  	s20 =	simm.s32 $0xE0  }
0x223: {  	v4 =	vld [tilespmem:s20+$0x900];
	_ =	sdelay $0x1  }
0x224: {  	(xrf0) =	vadd.scan.msk.s32 $0xffff, v3  }
0x225: {  	v0 =	vlaneseq.u32  }
0x226: {  	v1 =	vmul.u32 $0xFFFFFFFF, v0  }
0x227: {  	(xrf0) =	vadd.scan.msk.s32 $0xffff, v4  }
0x228: {  	v2 =	vadd.s32 $0xF, v1  }
0x229: {  	v3 =	vperm.xlane v3, v2  }
0x22a: {  	s21 =	simm.s32 $0xD0;
	v5, _, _ =	vpop (xrf0)  }
0x22b: {  	v6 =	vld [tilespmem:s21+$0x900];
	(v2sf) =	vpush v5, $0xF  }
0x22c: {  	(xrf0) =	vadd.scan.msk.s32 $0xffff, v3  }
0x22d: {  	v3, _, _ =	vpop (xrf0)  }
0x22e: {  	(v2sf) =	vpush v3, $0xF;
	v3 =	vperm.xlane v4, v2  }
0x22f: {  	s22 =	simm.s32 $0xC0  }
0x230: {  	(xrf0) =	vadd.scan.msk.s32 $0xffff, v6;
	v5 =	vld [tilespmem:s22+$0x900]  }
0x231: {  	s4 =	ssub.s32 s4, s5  }
0x232: {  	v0 =	vmov s4;
	s4 =	simm.s32 $0x0;
	(xrf0) =	vadd.scan.msk.s32 $0xffff, v3;
	v3, _, _ =	vpop (xrf0)  }
0x233: {  	v3 =	vadd.s32 s4, v3;
	_ =	sdelay $0x1  }
0x234: {  	v1 =	vimm.s32 $0x0;
	(xrf0) =	vadd.scan.msk.s32 $0xffff, v5;
	vm0 =	vge.s32 v3, v0  }
0x235: {  	v4 =	vsel vm0, $0x1, v1;
	v3, _, _ =	vpop (xrf0)  }
0x236: {  	(xrf0) =	vadd.scan.msk.s32 $0xffff, v4;
	(v2sf) =	vpush v3, $0xF;
	v3 =	vperm.xlane v6, v2;
	_ =	sdelay $0x2  }
0x237: {  	s23 =	simm.s32 $0xB0;
	v4, _, _ =	vpop (xrf0);
	s24 =	spop (v2sf)  }
0x238: {  	v6 =	vld [tilespmem:s23+$0x900];
	(xrf0) =	vadd.scan.msk.s32 $0xffff, v3;
	v3, _, _ =	vpop (xrf0);
	s5 =	sadd.s32 $0x0, s24  }
0x239: {  	(v2sf) =	vpush v3, $0xF;
	v3 =	vadd.s32 s5, v4  }
0x23a: {  	v4, _, _ =	vpop (xrf0);
	vm0 =	vge.s32 v3, v0  }
0x23b: {  	(v2sf) =	vpush v4, $0xF;
	v4 =	vsel vm0, $0x1, v1  }
0x23c: {  	s6 =	simm.s32 $0xA0  }
0x23d: {  	v7 =	vld [tilespmem:s6+$0x900];
	(xrf0) =	vadd.scan.msk.s32 $0xffff, v6;
	s25 =	spop (v2sf);
	v3 =	vperm.xlane v5, v2  }
0x23e: {  	s5 =	sadd.s32 s5, s25;
	(xrf0) =	vadd.scan.msk.s32 $0xffff, v4;
	v4, _, _ =	vpop (xrf0)  }
0x23f: {  	(xrf0) =	vadd.scan.msk.s32 $0xffff, v3;
	v3 =	vadd.s32 s5, v4  }
0x240: {  	vm0 =	vge.s32 v3, v0  }
0x241: {  	s26 =	simm.s32 $0x90;
	v3 =	vperm.xlane v6, v2;
	v5 =	vsel vm0, $0x1, v1  }
0x242: {  	(xrf0) =	vadd.scan.msk.s32 $0xffff, v7;
	v4 =	vld [tilespmem:s26+$0x900]  }
0x243: {  	(xrf0) =	vadd.scan.msk.s32 $0xffff, v5  }
0x244: {  	v5, _, _ =	vpop (xrf0)  }
0x245: {  	s28 =	spop (v2sf);
	(xrf0) =	vadd.scan.msk.s32 $0xffff, v3;
	v3, _, _ =	vpop (xrf0)  }
0x246: {  	s5 =	sadd.s32 s5, s28;
	v6, _, _ =	vpop (xrf0)  }
0x247: {  	(xrf0) =	vadd.scan.msk.s32 $0xffff, v4;
	(v2sf) =	vpush v5, $0xF;
	v6 =	vadd.s32 s5, v6  }
0x248: {  	(v2sf) =	vpush v3, $0xF;
	v5, _, _ =	vpop (xrf0);
	vm0 =	vge.s32 v6, v0  }
0x249: {  	v6 =	vperm.xlane v7, v2;
	v7, _, _ =	vpop (xrf0);
	(v2sf) =	vpush v5, $0xF;
	v3 =	vsel vm0, $0x1, v1  }
0x24a: {  	s30 =	spop (v2sf);
	(v2sf) =	vpush v7, $0xF;
	_ =	sdelay $0x1  }
0x24b: {  	(xrf0) =	vadd.scan.msk.s32 $0xffff, v3;
	v3, _, _ =	vpop (xrf0)  }
0x24c: {  	(xrf0) =	vadd.scan.msk.s32 $0xffff, v6;
	v6, _, _ =	vpop (xrf0)  }
0x24d: {  	(v2sf) =	vpush v6, $0xF  }
0x24e: {  	s29 =	simm.s32 $0x80  }
0x24f: {  	v8 =	vld [tilespmem:s29+$0x900];
	_ =	sdelay $0x2  }
0x250: {  	s6 =	sadd.s32 s5, s30  }
0x251: {  	s31 =	simm.s32 $0x70;
	v7 =	vadd.s32 s6, v3  }
0x252: {  	s7 =	simm.s32 $0x180;
	v5 =	vperm.xlane v4, v2;
	v4 =	vld [tilespmem:s31+$0x900];
	s5 =	spop (v2sf);
	(xrf0) =	vadd.scan.msk.s32 $0xffff, v8;
	v3 =	vperm.xlane v8, v2;
	vm0 =	vge.s32 v7, v0  }
.LBB2_22:
0x253: {  	p0 =	sne.s32 s7, $0x0  }
0x254: {  	v7 =	vsel vm0, $0x1, v1;
	s4 =	sadd.s32 s4, s5;
	s5 =	smov.u32 s7;
	s7 =	sadd.s32 $0xFFFFFFC0, s7  }
.Ltmp11:
0x255: {  	(xrf0) =	vadd.scan.msk.s32 $0xffff, v7;
	v6, _, _ =	vpop (xrf0);
	(pc) =	sbr.rel @p0 .LBB2_22-.Ltmp11, $4  }
0x256: {  	s8 =	spop (v2sf);
	(v2sf) =	vpush v6, $0xF  }
0x257: {  	(xrf0) =	vadd.scan.msk.s32 $0xffff, v5;
	v6, _, _ =	vpop (xrf0);
	s6 =	sadd.s32 s6, s8;
	v5 =	vmov v3  }
0x258: {  	s5 =	sshra.s32 s5, $0x2;
	v3 =	vperm.xlane v4, v2;
	(xrf0) =	vadd.scan.msk.s32 $0xffff, v4;
	v7, _, _ =	vpop (xrf0);
	v6 =	vadd.s32 s6, v6;
	_ =	sdelay $0x1  }
0x259: {  	v4 =	vld [tilespmem:s5+$0x900];
	(v2sf) =	vpush v7, $0xF;
	vm0 =	vge.s32 v6, v0;
	s5 =	spop (v2sf)  }
0x25a: {  	_ = 	snop  }
0x25b: {  	v6 =	vsel vm0, $0x1, v1;
	v7, _, _ =	vpop (xrf0)  }
0x25c: {  	(xrf0) =	vadd.scan.msk.s32 $0xffff, v6;
	v49, _, _ =	vpop (xrf0)  }
0x25d: {  	(v2sf) =	vpush v7, $0xF;
	(xrf0) =	vadd.scan.msk.s32 $0xffff, v5;
	v50, _, _ =	vpop (xrf0)  }
0x25e: {  	(v2sf) =	vpush v50, $0xF;
	_ =	sdelay $0x1  }
0x25f: {  	s7 =	spop (v2sf)  }
0x260: {  	s6 =	sadd.s32 s6, s7;
	s19 =	spop (v2sf)  }
0x261: {  	s8 =	spop (v2sf);
	v51 =	vadd.s32 s6, v49;
	v52, _, _ =	vpop (xrf0)  }
0x262: {  	s6 =	sadd.s32 s6, s8;
	vm12 =	vge.s32 v51, v0;
	v53, _, _ =	vpop (xrf0)  }
0x263: {  	(xrf0) =	vadd.scan.msk.s32 $0xffff, v4;
	v54 =	vsel vm12, $0x1, v1;
	v5 =	vadd.s32 s6, v53  }
0x264: {  	(xrf0) =	vadd.scan.msk.s32 $0xffff, v54;
	vm13 =	vge.s32 v5, v0  }
0x265: {  	v2 =	vperm.xlane v4, v2;
	(xrf0) =	vadd.scan.msk.s32 $0xffff, v3;
	v55 =	vsel vm13, $0x1, v1  }
0x266: {  	(xrf0) =	vadd.scan.msk.s32 $0xffff, v55  }
0x267: {  	(xrf0) =	vadd.scan.msk.s32 $0xffff, v2;
	_ =	sdelay $0x1  }
0x268: {  	v56, _, _ =	vpop (xrf0);
	s20 =	spop (v2sf)  }
0x269: {  	v57, _, _ =	vpop (xrf0);
	s9 =	spop (v2sf)  }
0x26a: {  	v58, _, _ =	vpop (xrf0);
	s10 =	spop (v2sf)  }
0x26b: {  	s6 =	sadd.s32 s6, s9;
	v59, _, _ =	vpop (xrf0);
	s21 =	spop (v2sf)  }
0x26c: {  	v4 =	vadd.s32 s6, v58;
	v60, _, _ =	vpop (xrf0);
	s6 =	sadd.s32 s6, s21  }
0x26d: {  	vm14 =	vge.s32 v4, v0;
	v7 =	vadd.s32 s6, v60  }
0x26e: {  	v4 =	vsel vm14, $0x1, v1;
	vm15 =	vge.s32 v7, v0  }
0x26f: {  	(xrf0) =	vadd.scan.msk.s32 $0xffff, v4;
	v0 =	vsel vm15, $0x1, v1  }
0x270: {  	(xrf0) =	vadd.scan.msk.s32 $0xffff, v0;
	_ =	sdelay $0x1  }
0x271: {  	(v2sf) =	vpush v52, $0xF  }
0x272: {  	(v2sf) =	vpush v56, $0xF  }
0x273: {  	(v2sf) =	vpush v57, $0xF  }
0x274: {  	(v2sf) =	vpush v59, $0xF;
	v61, _, _ =	vpop (xrf0)  }
0x275: {  	(v2sf) =	vpush v61, $0xF;
	v62, _, _ =	vpop (xrf0)  }
0x276: {  	(v2sf) =	vpush v62, $0xF;
	_ =	sdelay $0x7  }
0x277: {  	s4 =	sadd.s32 s4, s5  }
0x278: {  	s4 =	sadd.s32 s4, s19  }
0x279: {  	s4 =	sadd.s32 s4, s20;
	s22 =	spop (v2sf)  }
0x27a: {  	s4 =	sadd.s32 s4, s10;
	s23 =	spop (v2sf)  }
0x27b: {  	s4 =	sadd.s32 s4, s22;
	s24 =	spop (v2sf)  }
0x27c: {  	s4 =	sadd.s32 s4, s24;
	s25 =	spop (v2sf)  }
0x27d: {  	s4 =	sadd.s32 s4, s25;
	s26 =	spop (v2sf)  }
0x27e: {  	s4 =	sadd.s32 s4, s26;
	s28 =	spop (v2sf)  }
0x27f: {  	s4 =	sadd.s32 s4, s28  }
0x280: {  	s3 =	sshll.u32 s3, $0x7;
	s4 =	sadd.s32 $0xFFFFFFFF, s4  }
0x281: {  	s3 =	sor.u32 s3, s4  }
0x282: {  	v63 =	vmov s3  }
0x283: {  	s29 =	simm.s32 $0x0;
	s30 =	simm.s32 $0xA00;
	s31 =	simm.s32 $0x1;
	[tilespmem:$0xA00] =	vst v63  }
0x284: {  	[hbm4b:s2+s29] =	stream.linear.scatter [tilespmem:s30], [sflag:$0x1], $0x80, $0x38;
	[tilespmem:$0xA80] =	vst v63  }
0x285: {  	_ =	swait.ge [sflag:s31], $0x80  }
0x286: {  	[sflag:s31] =	ssyncset.done $0x0  }
0x287: {  	[sflag:s31] =	ssyncadd.s32 $0xFFFFFF80  }
.LBB2_24:
0x288: {  	_ =	sfence.sel $0x180000  }
0x289: {  	[bflag:$0x0] =	sbarrier.arrive $0xFFFF  }
0x28a: {  	p0 =	sne.s32 s1, $0x0;
	_ =	strace $0x90000047  }
0x28b: {  	s0 =	sadd.s32 @!p0 $0x100000, s0;
	[bflag:$0x2] =	sbarrier.arrive $0xFFFF  }
0x28c: {  	[sflag:s0] =	ssyncadd.tile.s32 @!p0 $0x1;
	_ =	shalt  }
.Lfunc_end2:
_tile_overlayer_lowered:
.L_overlay_start_2:
0x28d: {  	(tag) =	ssettag $0x2  }
0x28e: {  	s0 =	rddreg [dreg:$0x0];
	s2 =	stileid.u32  }
0x28f: {  	s1 =	rddreg [dreg:$0x1];
	p0 =	sne.s32 s2, $0x0  }
0x290: {  	s3 =	rddreg [dreg:$0x2];
	[bflag:$0x3] =	sbarrier.arrive $0xFFFF;
	s2 =	simm.s32 @!p0 $0x1C01  }
0x291: {  	[timem:s3], [sflag:s2] =	dma.local @!p0 [hbm:s0], s1  }
0x292: {  	s0 =	simm.s32 @!p0 $0x1  }
0x293: {  	_ =	swait.ge @!p0 [sflag:s0], s1  }
0x294: {  	s1 =	ssub.s32 @!p0 $0x0, s1;
	[sflag:s0] =	ssyncset.done @!p0 $0x0  }
0x295: {  	[sflag:s0] =	ssyncadd.s32 @!p0 s1  }
0x296: {  	[bflag:$0x3] =	sbarrier.arrive $0xFFFF  }
0x297: {  	_ =	shalt  }

</sc_bundles>
